<compile_context>
chip_gen: v7x
topology: tpu7x:2x2x1
jax: 0.10.2.dev20260603
libtpu: 0.0.44.dev20260713+nightly
codegen_flags: <defaults>
</compile_context>

<pallas_src>
import functools

import jax
import jax.numpy as jnp
from jax import lax
from jax.experimental import pallas as pl
from jax.experimental.pallas import tpu as pltpu
from jax.experimental.pallas import tpu_sc as plsc

N_NODES = 10000
IN_DIM = 128
OUT_DIM = 128
NUM_RELATIONS = 10
N_EDGES = 320000

N_REL1 = NUM_RELATIONS + 1
HALF = OUT_DIM // 2

NC = 2
NS = 16
CHUNK = 128
NDMA = -(-(-(-N_EDGES // NS)) // CHUNK)
NCH = NDMA
EPW = NDMA * CHUNK
E_PAD = NS * EPW
ACC_ROWS = 10112
SPW = ACC_ROWS // NS
LANES = 16


_BM = 10000


def _transform_body(x_ref, w_ref, b_ref, t_ref):
    t_ref[0] = (
        jnp.dot(x_ref[...], w_ref[0], preferred_element_type=jnp.float32)
        + b_ref[0]
    )


def _transform(x, w_all, b_all):
    return pl.pallas_call(
        _transform_body,
        grid=(N_NODES // _BM, N_REL1),
        in_specs=[
            pl.BlockSpec((_BM, IN_DIM), lambda j, r: (j, 0)),
            pl.BlockSpec((1, IN_DIM, OUT_DIM), lambda j, r: (r, 0, 0)),
            pl.BlockSpec((1, 1, OUT_DIM), lambda j, r: (r, 0, 0)),
        ],
        out_specs=pl.BlockSpec((1, _BM, OUT_DIM), lambda j, r: (r, j, 0)),
        out_shape=jax.ShapeDtypeStruct((N_REL1, N_NODES, OUT_DIM), jnp.float32),
    )(x, w_all, b_all)



_MESH = plsc.VectorSubcoreMesh(
    core_axis_name="c", subcore_axis_name="s", num_cores=NC, num_subcores=NS
)


@functools.partial(
    pl.kernel,
    out_type=jax.ShapeDtypeStruct((NC, ACC_ROWS, HALF), jnp.float32),
    mesh=_MESH,
    scratch_types=[
        pltpu.VMEM((NCH, CHUNK), jnp.int32),
        pltpu.VMEM((NCH, CHUNK), jnp.int32),
        pltpu.VMEM((CHUNK, HALF), jnp.float32),
        pltpu.VMEM((CHUNK, HALF), jnp.float32),
        pltpu.VMEM_SHARED((ACC_ROWS, HALF), jnp.float32),
        pltpu.SemaphoreType.DMA,
        pltpu.SemaphoreType.DMA,
    ],
    compiler_params=pltpu.CompilerParams(use_tc_tiling_on_sc=False),
)
def _edge_scatter(tbl_hbm, gidx_hbm, dst_hbm, out_hbm,
                  gidx_v, dst_v, rows_a, rows_b, acc_sh, sem_a, sem_b):
    c = lax.axis_index("c")
    s = lax.axis_index("s")

    @pl.loop(0, CHUNK)
    def _zrow(r):
        for u in range(HALF // LANES):
            rows_a[r, pl.ds(u * LANES, LANES)] = jnp.zeros(
                (LANES,), jnp.float32
            )

    for i in range(SPW // CHUNK):
        pltpu.sync_copy(rows_a, acc_sh.at[pl.ds(s * SPW + i * CHUNK, CHUNK)])
    _rem = SPW % CHUNK
    if _rem:
        pltpu.sync_copy(
            rows_a.at[pl.ds(0, _rem)],
            acc_sh.at[pl.ds(s * SPW + (SPW // CHUNK) * CHUNK, _rem)],
        )
    pltpu.sync_copy(gidx_hbm.at[s], gidx_v)
    pltpu.sync_copy(dst_hbm.at[s], dst_v)
    plsc.subcore_barrier()

    @pl.loop(0, NCH)
    def _xform(j):
        for u in range(CHUNK // LANES):
            g = gidx_v[j, pl.ds(u * LANES, LANES)]
            gidx_v[j, pl.ds(u * LANES, LANES)] = g * 2 + c

    def _gi(m):
        return gidx_v.at[m]

    def _di(m):
        return dst_v.at[m]

    pltpu.async_copy(tbl_hbm.at[_gi(0)], rows_a, sem_a)

    @pl.loop(0, (NDMA - 1) // 2)
    def _pairs(k):
        m = 2 * k
        pltpu.async_copy(tbl_hbm.at[_gi(m + 1)], rows_b, sem_b)
        pltpu.make_async_copy(tbl_hbm.at[_gi(m)], rows_a, sem_a).wait()
        pltpu.sync_copy(rows_a, acc_sh.at[_di(m)], add=True)
        pltpu.async_copy(tbl_hbm.at[_gi(m + 2)], rows_a, sem_a)
        pltpu.make_async_copy(tbl_hbm.at[_gi(m + 1)], rows_b, sem_b).wait()
        pltpu.sync_copy(rows_b, acc_sh.at[_di(m + 1)], add=True)

    pltpu.make_async_copy(tbl_hbm.at[_gi(NDMA - 1)], rows_a, sem_a).wait()
    pltpu.sync_copy(rows_a, acc_sh.at[_di(NDMA - 1)], add=True)

    plsc.subcore_barrier()
    pltpu.sync_copy(
        acc_sh.at[pl.ds(s * SPW, SPW)], out_hbm.at[c, pl.ds(s * SPW, SPW)]
    )



_BL = 10000


def _ln_body(t_ref, p_ref, w_ref, b_ref, o_ref):
    total = t_ref[0] + jnp.concatenate((p_ref[0], p_ref[1]), axis=-1)
    mu = jnp.mean(total, axis=1, keepdims=True)
    d = total - mu
    var = jnp.mean(d * d, axis=1, keepdims=True)
    o_ref[...] = d * lax.rsqrt(var + 1e-5) * w_ref[0] + b_ref[0]


def _layernorm(t, partials, ln_w, ln_b):
    return pl.pallas_call(
        _ln_body,
        grid=(N_NODES // _BL,),
        in_specs=[
            pl.BlockSpec((1, _BL, OUT_DIM), lambda j: (N_REL1 - 1, j, 0)),
            pl.BlockSpec((NC, _BL, HALF), lambda j: (0, j, 0)),
            pl.BlockSpec((1, OUT_DIM), lambda j: (0, 0)),
            pl.BlockSpec((1, OUT_DIM), lambda j: (0, 0)),
        ],
        out_specs=pl.BlockSpec((_BL, OUT_DIM), lambda j: (j, 0)),
        out_shape=jax.ShapeDtypeStruct((N_NODES, OUT_DIM), jnp.float32),
    )(t, partials, ln_w, ln_b)



def kernel(x, edge_index, edge_type, relation_weights, relation_bias,
           self_loop_w, self_loop_b, ln_weight, ln_bias):
    x = x.astype(jnp.float32)
    src = edge_index[0].astype(jnp.int32)
    dst = edge_index[1].astype(jnp.int32)
    et = edge_type.astype(jnp.int32)

    w_all = jnp.concatenate([relation_weights, self_loop_w.T[None]], axis=0)
    b_all = jnp.concatenate(
        [relation_bias, self_loop_b[None]], axis=0
    ).reshape(N_REL1, 1, OUT_DIM)

    t = _transform(x, w_all, b_all)
    tbl = t.reshape(N_REL1 * N_NODES * 2, HALF)

    pad = E_PAD - N_EDGES
    gidx = jnp.concatenate(
        [et * N_NODES + src, jnp.zeros((pad,), jnp.int32)]
    ).reshape(NS, NCH, CHUNK)
    dstp = jnp.concatenate(
        [dst, jnp.full((pad,), N_NODES, jnp.int32)]
    ).reshape(NS, NCH, CHUNK)

    partials = _edge_scatter(tbl, gidx, dstp)

    return _layernorm(
        t, partials, ln_weight.reshape(1, OUT_DIM), ln_bias.reshape(1, OUT_DIM)
    )

# --- scband reference (transcript-rebuilt; emitter-appended) ---
"""Pipeline reference for scband-graph-conv-layer-15659450761598 (READ-ONLY COPY).

The authoritative reference and input builder live on the scoring server;
editing this copy changes nothing except your own understanding.
"""

import jax, jax.numpy as jnp
import numpy as np

IN_DIM = 128
OUT_DIM = 128
NUM_RELATIONS = 10
N_NODES = 10000
N_EDGES = 320000


def setup_inputs(seed: int = 0) -> dict:
    key = jax.random.key(seed)
    ks = jax.random.split(key, 8)
    x = jax.random.normal(ks[0], (N_NODES, IN_DIM), dtype=jnp.float32)
    edge_index = jax.random.randint(ks[1], (2, N_EDGES), 0, N_NODES, dtype=jnp.int64 if jax.config.jax_enable_x64 else jnp.int32)
    edge_type = jax.random.randint(ks[2], (N_EDGES,), 0, NUM_RELATIONS, dtype=jnp.int64 if jax.config.jax_enable_x64 else jnp.int32)
    # xavier_uniform for relation_weights: gain=1, fan_in=IN_DIM, fan_out=OUT_DIM
    limit = float(np.sqrt(6.0 / (IN_DIM + OUT_DIM)))
    relation_weights = jax.random.uniform(ks[3], (NUM_RELATIONS, IN_DIM, OUT_DIM), minval=-limit, maxval=limit, dtype=jnp.float32)
    relation_bias = jnp.zeros((NUM_RELATIONS, OUT_DIM), dtype=jnp.float32)
    # nn.Linear default init: kaiming uniform on weight, uniform bias
    wlim = float(1.0 / np.sqrt(IN_DIM))
    self_loop_w = jax.random.uniform(ks[4], (OUT_DIM, IN_DIM), minval=-wlim, maxval=wlim, dtype=jnp.float32)
    self_loop_b = jax.random.uniform(ks[5], (OUT_DIM,), minval=-wlim, maxval=wlim, dtype=jnp.float32)
    ln_weight = jnp.ones((OUT_DIM,), dtype=jnp.float32)
    ln_bias = jnp.zeros((OUT_DIM,), dtype=jnp.float32)
    return {
        "x": x,
        "edge_index": edge_index,
        "edge_type": edge_type,
        "relation_weights": relation_weights,
        "relation_bias": relation_bias,
        "self_loop_w": self_loop_w,
        "self_loop_b": self_loop_b,
        "ln_weight": ln_weight,
        "ln_bias": ln_bias,
    }


def reference(x, edge_index, edge_type, relation_weights, relation_bias, self_loop_w, self_loop_b, ln_weight, ln_bias):
    num_nodes = x.shape[0]
    # self loop: nn.Linear -> x @ W.T + b
    out = x @ self_loop_w.T + self_loop_b
    src = edge_index[0]
    dst = edge_index[1]
    for rel in range(NUM_RELATIONS):
        mask = (edge_type == rel).astype(x.dtype)
        # transform all nodes then gather (mathematically identical to gather-then-matmul)
        transformed = x @ relation_weights[rel] + relation_bias[rel]
        messages = transformed[src] * mask[:, None]
        out = out.at[dst].add(messages)
    # LayerNorm over last dim, eps=1e-5
    mu = jnp.mean(out, axis=-1, keepdims=True)
    var = jnp.mean((out - mu) ** 2, axis=-1, keepdims=True)
    normed = (out - mu) / jnp.sqrt(var + 1e-5)
    return normed * ln_weight + ln_bias

if __name__ == "__main__":
    import jax
    _d = setup_inputs()
    print(jax.jit(kernel)(*tuple(_d.values())))

</pallas_src>

<mosaic_0001>
#map = affine_map<(d0, d1) -> (0, 0)>
#map1 = affine_map<(d0, d1) -> (0, 0, 0)>
module attributes {stable_mosaic.version = 14 : i64} {
  func.func @_edge_scatter(%arg0: i32, %arg1: i32, %arg2: memref<220000x64xf32, #tpu.memory_space<hbm>>, %arg3: memref<16x157x128xi32, #tpu.memory_space<hbm>>, %arg4: memref<16x157x128xi32, #tpu.memory_space<hbm>>, %arg5: memref<2x10112x64xf32, #tpu.memory_space<hbm>>, %arg6: memref<157x128xi32, #tpu.memory_space<vmem>>, %arg7: memref<157x128xi32, #tpu.memory_space<vmem>>, %arg8: memref<128x64xf32, #tpu.memory_space<vmem>>, %arg9: memref<128x64xf32, #tpu.memory_space<vmem>>, %arg10: memref<10112x64xf32, #tpu.memory_space<vmem_shared>>, %arg11: memref<!tpu.dma_semaphore, #tpu.memory_space<semaphore_mem>>, %arg12: memref<!tpu.dma_semaphore, #tpu.memory_space<semaphore_mem>>) attributes {dimension_semantics = [#tpu.dimension_semantics<core_parallel>, #tpu.dimension_semantics<subcore_parallel>], iteration_bounds = array<i64: 2, 16>, scalar_prefetch = 0 : i64, scratch_operands = 7 : i64, tpu.core_type = #tpu.core_type<sc_vector_subcore>, window_params = [{transform_indices = #map}, {transform_indices = #map1}, {transform_indices = #map1}, {transform_indices = #map1}]} {
    %scan3A = arith.constant 0 : i32
    %scan3A_0 = arith.constant 128 : i32
    %scan3A_1 = arith.addi %scan3A, %scan3A_0 : i32
    %scan3A_2 = arith.constant 1 : i32
    scf.for %scan3A_49 = %scan3A to %scan3A_1 step %scan3A_2  : i32 {
      %mul3A_50 = arith.constant 1 : i32
      %mul3A_51 = arith.muli %scan3A_49, %mul3A_50 : i32
      %add3A_52 = arith.constant 0 : i32
      %add3A_53 = arith.addi %add3A_52, %mul3A_51 : i32
      %broadcast_in_dim3A = arith.constant 0.000000e+00 : f32
      %broadcast_in_dim3A_54 = vector.broadcast %broadcast_in_dim3A : f32 to vector<16xf32>
      %swap3A = arith.index_cast %add3A_53 : i32 to index
      %swap3A_55 = arith.constant 0 : index
      %swap3A_56 = tpu.vector_load %arg8[%swap3A, %swap3A_55] {strides = array<i32>} : memref<128x64xf32, #tpu.memory_space<vmem>>, vector<1x16xf32>,
      %swap3A_57 = vector.shape_cast %swap3A_56 : vector<1x16xf32> to vector<16xf32>
      %swap3A_58 = vector.shape_cast %broadcast_in_dim3A_54 : vector<16xf32> to vector<1x16xf32>
      tpu.vector_store %arg8[%swap3A, %swap3A_55], %swap3A_58 {strides = array<i32>} : memref<128x64xf32, #tpu.memory_space<vmem>>, vector<1x16xf32>,
      %broadcast_in_dim3A_59 = arith.constant 0.000000e+00 : f32
      %broadcast_in_dim3A_60 = vector.broadcast %broadcast_in_dim3A_59 : f32 to vector<16xf32>
      %swap3A_61 = arith.index_cast %add3A_53 : i32 to index
      %swap3A_62 = arith.constant 16 : index
      %swap3A_63 = tpu.vector_load %arg8[%swap3A_61, %swap3A_62] {strides = array<i32>} : memref<128x64xf32, #tpu.memory_space<vmem>>, vector<1x16xf32>,
      %swap3A_64 = vector.shape_cast %swap3A_63 : vector<1x16xf32> to vector<16xf32>
      %swap3A_65 = vector.shape_cast %broadcast_in_dim3A_60 : vector<16xf32> to vector<1x16xf32>
      tpu.vector_store %arg8[%swap3A_61, %swap3A_62], %swap3A_65 {strides = array<i32>} : memref<128x64xf32, #tpu.memory_space<vmem>>, vector<1x16xf32>,
      %broadcast_in_dim3A_66 = arith.constant 0.000000e+00 : f32
      %broadcast_in_dim3A_67 = vector.broadcast %broadcast_in_dim3A_66 : f32 to vector<16xf32>
      %swap3A_68 = arith.index_cast %add3A_53 : i32 to index
      %swap3A_69 = arith.constant 32 : index
      %swap3A_70 = tpu.vector_load %arg8[%swap3A_68, %swap3A_69] {strides = array<i32>} : memref<128x64xf32, #tpu.memory_space<vmem>>, vector<1x16xf32>,
      %swap3A_71 = vector.shape_cast %swap3A_70 : vector<1x16xf32> to vector<16xf32>
      %swap3A_72 = vector.shape_cast %broadcast_in_dim3A_67 : vector<16xf32> to vector<1x16xf32>
      tpu.vector_store %arg8[%swap3A_68, %swap3A_69], %swap3A_72 {strides = array<i32>} : memref<128x64xf32, #tpu.memory_space<vmem>>, vector<1x16xf32>,
      %broadcast_in_dim3A_73 = arith.constant 0.000000e+00 : f32
      %broadcast_in_dim3A_74 = vector.broadcast %broadcast_in_dim3A_73 : f32 to vector<16xf32>
      %swap3A_75 = arith.index_cast %add3A_53 : i32 to index
      %swap3A_76 = arith.constant 48 : index
      %swap3A_77 = tpu.vector_load %arg8[%swap3A_75, %swap3A_76] {strides = array<i32>} : memref<128x64xf32, #tpu.memory_space<vmem>>, vector<1x16xf32>,
      %swap3A_78 = vector.shape_cast %swap3A_77 : vector<1x16xf32> to vector<16xf32>
      %swap3A_79 = vector.shape_cast %broadcast_in_dim3A_74 : vector<16xf32> to vector<1x16xf32>
      tpu.vector_store %arg8[%swap3A_75, %swap3A_76], %swap3A_79 {strides = array<i32>} : memref<128x64xf32, #tpu.memory_space<vmem>>, vector<1x16xf32>,
    }
    %scan3A_3 = arith.constant 128 : i32
    %mul3A = arith.constant 632 : i32
    %mul3A_4 = arith.muli %arg1, %mul3A : i32
    %add3A = arith.constant 0 : i32
    %add3A_5 = arith.addi %mul3A_4, %add3A : i32
    "tpu.region"() ({
      %run_scoped3A_49 = tpu.sem_alloc : memref<!tpu.dma_semaphore, #tpu.memory_space<semaphore_mem>>
      %dma_start3A_50 = arith.constant 0 : i32
      %dma_start3A_51 = tpu.memref_slice %arg10[%add3A_5, %dma_start3A_50] : memref<10112x64xf32, #tpu.memory_space<vmem_shared>> -> memref<128x64xf32, #tpu.memory_space<vmem_shared>>
      %dma_start3A_52 = arith.constant 0 : i32
      %dma_start3A_53 = tpu.memref_slice %arg10[%add3A_5, %dma_start3A_52] : memref<10112x64xf32, #tpu.memory_space<vmem_shared>> -> memref<128x64xf32, #tpu.memory_space<vmem_shared>>
      tpu.enqueue_dma source(%arg8 : memref<128x64xf32, #tpu.memory_space<vmem>>) target(%dma_start3A_53 : memref<128x64xf32, #tpu.memory_space<vmem_shared>>) target_semaphore(%run_scoped3A_49 : memref<!tpu.dma_semaphore, #tpu.memory_space<semaphore_mem>>)
      %dma_wait3A_54 = arith.constant 0 : i32
      %dma_wait3A_55 = tpu.memref_slice %arg10[%add3A_5, %dma_wait3A_54] : memref<10112x64xf32, #tpu.memory_space<vmem_shared>> -> memref<128x64xf32, #tpu.memory_space<vmem_shared>>
      %dma_wait3A_56 = arith.constant 0 : i32
      %dma_wait3A_57 = tpu.memref_slice %arg10[%add3A_5, %dma_wait3A_56] : memref<10112x64xf32, #tpu.memory_space<vmem_shared>> -> memref<128x64xf32, #tpu.memory_space<vmem_shared>>
      tpu.wait_dma2 semaphore(%run_scoped3A_49 : memref<!tpu.dma_semaphore, #tpu.memory_space<semaphore_mem>>) src(%arg8 : memref<128x64xf32, #tpu.memory_space<vmem>>) dst(%dma_wait3A_57 : memref<128x64xf32, #tpu.memory_space<vmem_shared>>)
      tpu.yield
    }) : () -> ()
    %mul3A_6 = arith.constant 632 : i32
    %mul3A_7 = arith.muli %arg1, %mul3A_6 : i32
    %add3A_8 = arith.constant 128 : i32
    %add3A_9 = arith.addi %mul3A_7, %add3A_8 : i32
    "tpu.region"() ({
      %run_scoped3A_49 = tpu.sem_alloc : memref<!tpu.dma_semaphore, #tpu.memory_space<semaphore_mem>>
      %dma_start3A_50 = arith.constant 0 : i32
      %dma_start3A_51 = tpu.memref_slice %arg10[%add3A_9, %dma_start3A_50] : memref<10112x64xf32, #tpu.memory_space<vmem_shared>> -> memref<128x64xf32, #tpu.memory_space<vmem_shared>>
      %dma_start3A_52 = arith.constant 0 : i32
      %dma_start3A_53 = tpu.memref_slice %arg10[%add3A_9, %dma_start3A_52] : memref<10112x64xf32, #tpu.memory_space<vmem_shared>> -> memref<128x64xf32, #tpu.memory_space<vmem_shared>>
      tpu.enqueue_dma source(%arg8 : memref<128x64xf32, #tpu.memory_space<vmem>>) target(%dma_start3A_53 : memref<128x64xf32, #tpu.memory_space<vmem_shared>>) target_semaphore(%run_scoped3A_49 : memref<!tpu.dma_semaphore, #tpu.memory_space<semaphore_mem>>)
      %dma_wait3A_54 = arith.constant 0 : i32
      %dma_wait3A_55 = tpu.memref_slice %arg10[%add3A_9, %dma_wait3A_54] : memref<10112x64xf32, #tpu.memory_space<vmem_shared>> -> memref<128x64xf32, #tpu.memory_space<vmem_shared>>
      %dma_wait3A_56 = arith.constant 0 : i32
      %dma_wait3A_57 = tpu.memref_slice %arg10[%add3A_9, %dma_wait3A_56] : memref<10112x64xf32, #tpu.memory_space<vmem_shared>> -> memref<128x64xf32, #tpu.memory_space<vmem_shared>>
      tpu.wait_dma2 semaphore(%run_scoped3A_49 : memref<!tpu.dma_semaphore, #tpu.memory_space<semaphore_mem>>) src(%arg8 : memref<128x64xf32, #tpu.memory_space<vmem>>) dst(%dma_wait3A_57 : memref<128x64xf32, #tpu.memory_space<vmem_shared>>)
      tpu.yield
    }) : () -> ()
    %mul3A_10 = arith.constant 632 : i32
    %mul3A_11 = arith.muli %arg1, %mul3A_10 : i32
    %add3A_12 = arith.constant 256 : i32
    %add3A_13 = arith.addi %mul3A_11, %add3A_12 : i32
    "tpu.region"() ({
      %run_scoped3A_49 = tpu.sem_alloc : memref<!tpu.dma_semaphore, #tpu.memory_space<semaphore_mem>>
      %dma_start3A_50 = arith.constant 0 : i32
      %dma_start3A_51 = tpu.memref_slice %arg10[%add3A_13, %dma_start3A_50] : memref<10112x64xf32, #tpu.memory_space<vmem_shared>> -> memref<128x64xf32, #tpu.memory_space<vmem_shared>>
      %dma_start3A_52 = arith.constant 0 : i32
      %dma_start3A_53 = tpu.memref_slice %arg10[%add3A_13, %dma_start3A_52] : memref<10112x64xf32, #tpu.memory_space<vmem_shared>> -> memref<128x64xf32, #tpu.memory_space<vmem_shared>>
      tpu.enqueue_dma source(%arg8 : memref<128x64xf32, #tpu.memory_space<vmem>>) target(%dma_start3A_53 : memref<128x64xf32, #tpu.memory_space<vmem_shared>>) target_semaphore(%run_scoped3A_49 : memref<!tpu.dma_semaphore, #tpu.memory_space<semaphore_mem>>)
      %dma_wait3A_54 = arith.constant 0 : i32
      %dma_wait3A_55 = tpu.memref_slice %arg10[%add3A_13, %dma_wait3A_54] : memref<10112x64xf32, #tpu.memory_space<vmem_shared>> -> memref<128x64xf32, #tpu.memory_space<vmem_shared>>
      %dma_wait3A_56 = arith.constant 0 : i32
      %dma_wait3A_57 = tpu.memref_slice %arg10[%add3A_13, %dma_wait3A_56] : memref<10112x64xf32, #tpu.memory_space<vmem_shared>> -> memref<128x64xf32, #tpu.memory_space<vmem_shared>>
      tpu.wait_dma2 semaphore(%run_scoped3A_49 : memref<!tpu.dma_semaphore, #tpu.memory_space<semaphore_mem>>) src(%arg8 : memref<128x64xf32, #tpu.memory_space<vmem>>) dst(%dma_wait3A_57 : memref<128x64xf32, #tpu.memory_space<vmem_shared>>)
      tpu.yield
    }) : () -> ()
    %mul3A_14 = arith.constant 632 : i32
    %mul3A_15 = arith.muli %arg1, %mul3A_14 : i32
    %add3A_16 = arith.constant 384 : i32
    %add3A_17 = arith.addi %mul3A_15, %add3A_16 : i32
    "tpu.region"() ({
      %run_scoped3A_49 = tpu.sem_alloc : memref<!tpu.dma_semaphore, #tpu.memory_space<semaphore_mem>>
      %dma_start3A_50 = arith.constant 0 : i32
      %dma_start3A_51 = tpu.memref_slice %arg10[%add3A_17, %dma_start3A_50] : memref<10112x64xf32, #tpu.memory_space<vmem_shared>> -> memref<128x64xf32, #tpu.memory_space<vmem_shared>>
      %dma_start3A_52 = arith.constant 0 : i32
      %dma_start3A_53 = tpu.memref_slice %arg10[%add3A_17, %dma_start3A_52] : memref<10112x64xf32, #tpu.memory_space<vmem_shared>> -> memref<128x64xf32, #tpu.memory_space<vmem_shared>>
      tpu.enqueue_dma source(%arg8 : memref<128x64xf32, #tpu.memory_space<vmem>>) target(%dma_start3A_53 : memref<128x64xf32, #tpu.memory_space<vmem_shared>>) target_semaphore(%run_scoped3A_49 : memref<!tpu.dma_semaphore, #tpu.memory_space<semaphore_mem>>)
      %dma_wait3A_54 = arith.constant 0 : i32
      %dma_wait3A_55 = tpu.memref_slice %arg10[%add3A_17, %dma_wait3A_54] : memref<10112x64xf32, #tpu.memory_space<vmem_shared>> -> memref<128x64xf32, #tpu.memory_space<vmem_shared>>
      %dma_wait3A_56 = arith.constant 0 : i32
      %dma_wait3A_57 = tpu.memref_slice %arg10[%add3A_17, %dma_wait3A_56] : memref<10112x64xf32, #tpu.memory_space<vmem_shared>> -> memref<128x64xf32, #tpu.memory_space<vmem_shared>>
      tpu.wait_dma2 semaphore(%run_scoped3A_49 : memref<!tpu.dma_semaphore, #tpu.memory_space<semaphore_mem>>) src(%arg8 : memref<128x64xf32, #tpu.memory_space<vmem>>) dst(%dma_wait3A_57 : memref<128x64xf32, #tpu.memory_space<vmem_shared>>)
      tpu.yield
    }) : () -> ()
    %mul3A_18 = arith.constant 632 : i32
    %mul3A_19 = arith.muli %arg1, %mul3A_18 : i32
    %add3A_20 = arith.constant 512 : i32
    %add3A_21 = arith.addi %mul3A_19, %add3A_20 : i32
    "tpu.region"() ({
      %run_scoped3A_49 = tpu.sem_alloc : memref<!tpu.dma_semaphore, #tpu.memory_space<semaphore_mem>>
      %dma_start3A_50 = arith.constant 0 : i32
      %dma_start3A_51 = arith.constant 0 : i32
      %dma_start3A_52 = tpu.memref_slice %arg8[%dma_start3A_50, %dma_start3A_51] : memref<128x64xf32, #tpu.memory_space<vmem>> -> memref<120x64xf32, #tpu.memory_space<vmem>>
      %dma_start3A_53 = arith.constant 0 : i32
      %dma_start3A_54 = tpu.memref_slice %arg10[%add3A_21, %dma_start3A_53] : memref<10112x64xf32, #tpu.memory_space<vmem_shared>> -> memref<120x64xf32, #tpu.memory_space<vmem_shared>>
      %dma_start3A_55 = arith.constant 0 : i32
      %dma_start3A_56 = tpu.memref_slice %arg10[%add3A_21, %dma_start3A_55] : memref<10112x64xf32, #tpu.memory_space<vmem_shared>> -> memref<120x64xf32, #tpu.memory_space<vmem_shared>>
      %dma_start3A_57 = arith.constant 0 : i32
      %dma_start3A_58 = arith.constant 0 : i32
      %dma_start3A_59 = tpu.memref_slice %arg8[%dma_start3A_57, %dma_start3A_58] : memref<128x64xf32, #tpu.memory_space<vmem>> -> memref<120x64xf32, #tpu.memory_space<vmem>>
      tpu.enqueue_dma source(%dma_start3A_59 : memref<120x64xf32, #tpu.memory_space<vmem>>) target(%dma_start3A_56 : memref<120x64xf32, #tpu.memory_space<vmem_shared>>) target_semaphore(%run_scoped3A_49 : memref<!tpu.dma_semaphore, #tpu.memory_space<semaphore_mem>>)
      %dma_wait3A_60 = arith.constant 0 : i32
      %dma_wait3A_61 = arith.constant 0 : i32
      %dma_wait3A_62 = tpu.memref_slice %arg8[%dma_wait3A_60, %dma_wait3A_61] : memref<128x64xf32, #tpu.memory_space<vmem>> -> memref<120x64xf32, #tpu.memory_space<vmem>>
      %dma_wait3A_63 = arith.constant 0 : i32
      %dma_wait3A_64 = tpu.memref_slice %arg10[%add3A_21, %dma_wait3A_63] : memref<10112x64xf32, #tpu.memory_space<vmem_shared>> -> memref<120x64xf32, #tpu.memory_space<vmem_shared>>
      %dma_wait3A_65 = arith.constant 0 : i32
      %dma_wait3A_66 = tpu.memref_slice %arg10[%add3A_21, %dma_wait3A_65] : memref<10112x64xf32, #tpu.memory_space<vmem_shared>> -> memref<120x64xf32, #tpu.memory_space<vmem_shared>>
      %dma_wait3A_67 = arith.constant 0 : i32
      %dma_wait3A_68 = arith.constant 0 : i32
      %dma_wait3A_69 = tpu.memref_slice %arg8[%dma_wait3A_67, %dma_wait3A_68] : memref<128x64xf32, #tpu.memory_space<vmem>> -> memref<120x64xf32, #tpu.memory_space<vmem>>
      tpu.wait_dma2 semaphore(%run_scoped3A_49 : memref<!tpu.dma_semaphore, #tpu.memory_space<semaphore_mem>>) src(%dma_wait3A_69 : memref<120x64xf32, #tpu.memory_space<vmem>>) dst(%dma_wait3A_66 : memref<120x64xf32, #tpu.memory_space<vmem_shared>>)
      tpu.yield
    }) : () -> ()
    "tpu.region"() ({
      %run_scoped3A_49 = tpu.sem_alloc : memref<!tpu.dma_semaphore, #tpu.memory_space<semaphore_mem>>
      %dma_start3A_50 = arith.constant 0 : i32
      %dma_start3A_51 = arith.constant 0 : i32
      %dma_start3A_52 = tpu.memref_slice %arg3[%arg1, %dma_start3A_50, %dma_start3A_51] : memref<16x157x128xi32, #tpu.memory_space<hbm>> -> memref<1x157x128xi32, #tpu.memory_space<hbm>>
      %dma_start3A_53 = tpu.memref_squeeze %dma_start3A_52 : memref<1x157x128xi32, #tpu.memory_space<hbm>> -> memref<157x128xi32, #tpu.memory_space<hbm>>
      %dma_start3A_54 = arith.constant 0 : i32
      %dma_start3A_55 = arith.constant 0 : i32
      %dma_start3A_56 = tpu.memref_slice %arg3[%arg1, %dma_start3A_54, %dma_start3A_55] : memref<16x157x128xi32, #tpu.memory_space<hbm>> -> memref<1x157x128xi32, #tpu.memory_space<hbm>>
      %dma_start3A_57 = tpu.memref_squeeze %dma_start3A_56 : memref<1x157x128xi32, #tpu.memory_space<hbm>> -> memref<157x128xi32, #tpu.memory_space<hbm>>
      tpu.enqueue_dma source(%dma_start3A_57 : memref<157x128xi32, #tpu.memory_space<hbm>>) target(%arg6 : memref<157x128xi32, #tpu.memory_space<vmem>>) target_semaphore(%run_scoped3A_49 : memref<!tpu.dma_semaphore, #tpu.memory_space<semaphore_mem>>)
      %dma_wait3A_58 = arith.constant 0 : i32
      %dma_wait3A_59 = arith.constant 0 : i32
      %dma_wait3A_60 = tpu.memref_slice %arg3[%arg1, %dma_wait3A_58, %dma_wait3A_59] : memref<16x157x128xi32, #tpu.memory_space<hbm>> -> memref<1x157x128xi32, #tpu.memory_space<hbm>>
      %dma_wait3A_61 = tpu.memref_squeeze %dma_wait3A_60 : memref<1x157x128xi32, #tpu.memory_space<hbm>> -> memref<157x128xi32, #tpu.memory_space<hbm>>
      %dma_wait3A_62 = arith.constant 0 : i32
      %dma_wait3A_63 = arith.constant 0 : i32
      %dma_wait3A_64 = tpu.memref_slice %arg3[%arg1, %dma_wait3A_62, %dma_wait3A_63] : memref<16x157x128xi32, #tpu.memory_space<hbm>> -> memref<1x157x128xi32, #tpu.memory_space<hbm>>
      %dma_wait3A_65 = tpu.memref_squeeze %dma_wait3A_64 : memref<1x157x128xi32, #tpu.memory_space<hbm>> -> memref<157x128xi32, #tpu.memory_space<hbm>>
      tpu.wait_dma2 semaphore(%run_scoped3A_49 : memref<!tpu.dma_semaphore, #tpu.memory_space<semaphore_mem>>) src(%dma_wait3A_65 : memref<157x128xi32, #tpu.memory_space<hbm>>) dst(%arg6 : memref<157x128xi32, #tpu.memory_space<vmem>>)
      tpu.yield
    }) : () -> ()
    "tpu.region"() ({
      %run_scoped3A_49 = tpu.sem_alloc : memref<!tpu.dma_semaphore, #tpu.memory_space<semaphore_mem>>
      %dma_start3A_50 = arith.constant 0 : i32
      %dma_start3A_51 = arith.constant 0 : i32
      %dma_start3A_52 = tpu.memref_slice %arg4[%arg1, %dma_start3A_50, %dma_start3A_51] : memref<16x157x128xi32, #tpu.memory_space<hbm>> -> memref<1x157x128xi32, #tpu.memory_space<hbm>>
      %dma_start3A_53 = tpu.memref_squeeze %dma_start3A_52 : memref<1x157x128xi32, #tpu.memory_space<hbm>> -> memref<157x128xi32, #tpu.memory_space<hbm>>
      %dma_start3A_54 = arith.constant 0 : i32
      %dma_start3A_55 = arith.constant 0 : i32
      %dma_start3A_56 = tpu.memref_slice %arg4[%arg1, %dma_start3A_54, %dma_start3A_55] : memref<16x157x128xi32, #tpu.memory_space<hbm>> -> memref<1x157x128xi32, #tpu.memory_space<hbm>>
      %dma_start3A_57 = tpu.memref_squeeze %dma_start3A_56 : memref<1x157x128xi32, #tpu.memory_space<hbm>> -> memref<157x128xi32, #tpu.memory_space<hbm>>
      tpu.enqueue_dma source(%dma_start3A_57 : memref<157x128xi32, #tpu.memory_space<hbm>>) target(%arg7 : memref<157x128xi32, #tpu.memory_space<vmem>>) target_semaphore(%run_scoped3A_49 : memref<!tpu.dma_semaphore, #tpu.memory_space<semaphore_mem>>)
      %dma_wait3A_58 = arith.constant 0 : i32
      %dma_wait3A_59 = arith.constant 0 : i32
      %dma_wait3A_60 = tpu.memref_slice %arg4[%arg1, %dma_wait3A_58, %dma_wait3A_59] : memref<16x157x128xi32, #tpu.memory_space<hbm>> -> memref<1x157x128xi32, #tpu.memory_space<hbm>>
      %dma_wait3A_61 = tpu.memref_squeeze %dma_wait3A_60 : memref<1x157x128xi32, #tpu.memory_space<hbm>> -> memref<157x128xi32, #tpu.memory_space<hbm>>
      %dma_wait3A_62 = arith.constant 0 : i32
      %dma_wait3A_63 = arith.constant 0 : i32
      %dma_wait3A_64 = tpu.memref_slice %arg4[%arg1, %dma_wait3A_62, %dma_wait3A_63] : memref<16x157x128xi32, #tpu.memory_space<hbm>> -> memref<1x157x128xi32, #tpu.memory_space<hbm>>
      %dma_wait3A_65 = tpu.memref_squeeze %dma_wait3A_64 : memref<1x157x128xi32, #tpu.memory_space<hbm>> -> memref<157x128xi32, #tpu.memory_space<hbm>>
      tpu.wait_dma2 semaphore(%run_scoped3A_49 : memref<!tpu.dma_semaphore, #tpu.memory_space<semaphore_mem>>) src(%dma_wait3A_65 : memref<157x128xi32, #tpu.memory_space<hbm>>) dst(%arg7 : memref<157x128xi32, #tpu.memory_space<vmem>>)
      tpu.yield
    }) : () -> ()
    %barrier3A = arith.constant 0 : index
    tpu.barrier barrier_id(%barrier3A)
    %scan3A_22 = arith.constant 0 : i32
    %scan3A_23 = arith.constant 157 : i32
    %scan3A_24 = arith.addi %scan3A_22, %scan3A_23 : i32
    %scan3A_25 = arith.constant 1 : i32
    scf.for %scan3A_49 = %scan3A_22 to %scan3A_24 step %scan3A_25  : i32 {
      %mul3A_50 = arith.constant 1 : i32
      %mul3A_51 = arith.muli %scan3A_49, %mul3A_50 : i32
      %add3A_52 = arith.constant 0 : i32
      %add3A_53 = arith.addi %add3A_52, %mul3A_51 : i32
      %get3A = arith.index_cast %add3A_53 : i32 to index
      %get3A_54 = arith.constant 0 : index
      %get3A_55 = tpu.vector_load %arg6[%get3A, %get3A_54] {strides = array<i32>} : memref<157x128xi32, #tpu.memory_space<vmem>>, vector<1x16xi32>,
      %get3A_56 = vector.shape_cast %get3A_55 : vector<1x16xi32> to vector<16xi32>
      %mul3A_57 = arith.constant 2 : i32
      %mul3A_58 = vector.broadcast %mul3A_57 : i32 to vector<16xi32>
      %mul3A_59 = arith.muli %get3A_56, %mul3A_58 : vector<16xi32>
      %add3A_60 = vector.broadcast %arg0 : i32 to vector<16xi32>
      %add3A_61 = arith.addi %mul3A_59, %add3A_60 : vector<16xi32>
      %swap3A = arith.index_cast %add3A_53 : i32 to index
      %swap3A_62 = arith.constant 0 : index
      %swap3A_63 = tpu.vector_load %arg6[%swap3A, %swap3A_62] {strides = array<i32>} : memref<157x128xi32, #tpu.memory_space<vmem>>, vector<1x16xi32>,
      %swap3A_64 = vector.shape_cast %swap3A_63 : vector<1x16xi32> to vector<16xi32>
      %swap3A_65 = vector.shape_cast %add3A_61 : vector<16xi32> to vector<1x16xi32>
      tpu.vector_store %arg6[%swap3A, %swap3A_62], %swap3A_65 {strides = array<i32>} : memref<157x128xi32, #tpu.memory_space<vmem>>, vector<1x16xi32>,
      %get3A_66 = arith.index_cast %add3A_53 : i32 to index
      %get3A_67 = arith.constant 16 : index
      %get3A_68 = tpu.vector_load %arg6[%get3A_66, %get3A_67] {strides = array<i32>} : memref<157x128xi32, #tpu.memory_space<vmem>>, vector<1x16xi32>,
      %get3A_69 = vector.shape_cast %get3A_68 : vector<1x16xi32> to vector<16xi32>
      %mul3A_70 = arith.constant 2 : i32
      %mul3A_71 = vector.broadcast %mul3A_70 : i32 to vector<16xi32>
      %mul3A_72 = arith.muli %get3A_69, %mul3A_71 : vector<16xi32>
      %add3A_73 = vector.broadcast %arg0 : i32 to vector<16xi32>
      %add3A_74 = arith.addi %mul3A_72, %add3A_73 : vector<16xi32>
      %swap3A_75 = arith.index_cast %add3A_53 : i32 to index
      %swap3A_76 = arith.constant 16 : index
      %swap3A_77 = tpu.vector_load %arg6[%swap3A_75, %swap3A_76] {strides = array<i32>} : memref<157x128xi32, #tpu.memory_space<vmem>>, vector<1x16xi32>,
      %swap3A_78 = vector.shape_cast %swap3A_77 : vector<1x16xi32> to vector<16xi32>
      %swap3A_79 = vector.shape_cast %add3A_74 : vector<16xi32> to vector<1x16xi32>
      tpu.vector_store %arg6[%swap3A_75, %swap3A_76], %swap3A_79 {strides = array<i32>} : memref<157x128xi32, #tpu.memory_space<vmem>>, vector<1x16xi32>,
      %get3A_80 = arith.index_cast %add3A_53 : i32 to index
      %get3A_81 = arith.constant 32 : index
      %get3A_82 = tpu.vector_load %arg6[%get3A_80, %get3A_81] {strides = array<i32>} : memref<157x128xi32, #tpu.memory_space<vmem>>, vector<1x16xi32>,
      %get3A_83 = vector.shape_cast %get3A_82 : vector<1x16xi32> to vector<16xi32>
      %mul3A_84 = arith.constant 2 : i32
      %mul3A_85 = vector.broadcast %mul3A_84 : i32 to vector<16xi32>
      %mul3A_86 = arith.muli %get3A_83, %mul3A_85 : vector<16xi32>
      %add3A_87 = vector.broadcast %arg0 : i32 to vector<16xi32>
      %add3A_88 = arith.addi %mul3A_86, %add3A_87 : vector<16xi32>
      %swap3A_89 = arith.index_cast %add3A_53 : i32 to index
      %swap3A_90 = arith.constant 32 : index
      %swap3A_91 = tpu.vector_load %arg6[%swap3A_89, %swap3A_90] {strides = array<i32>} : memref<157x128xi32, #tpu.memory_space<vmem>>, vector<1x16xi32>,
      %swap3A_92 = vector.shape_cast %swap3A_91 : vector<1x16xi32> to vector<16xi32>
      %swap3A_93 = vector.shape_cast %add3A_88 : vector<16xi32> to vector<1x16xi32>
      tpu.vector_store %arg6[%swap3A_89, %swap3A_90], %swap3A_93 {strides = array<i32>} : memref<157x128xi32, #tpu.memory_space<vmem>>, vector<1x16xi32>,
      %get3A_94 = arith.index_cast %add3A_53 : i32 to index
      %get3A_95 = arith.constant 48 : index
      %get3A_96 = tpu.vector_load %arg6[%get3A_94, %get3A_95] {strides = array<i32>} : memref<157x128xi32, #tpu.memory_space<vmem>>, vector<1x16xi32>,
      %get3A_97 = vector.shape_cast %get3A_96 : vector<1x16xi32> to vector<16xi32>
      %mul3A_98 = arith.constant 2 : i32
      %mul3A_99 = vector.broadcast %mul3A_98 : i32 to vector<16xi32>
      %mul3A_100 = arith.muli %get3A_97, %mul3A_99 : vector<16xi32>
      %add3A_101 = vector.broadcast %arg0 : i32 to vector<16xi32>
      %add3A_102 = arith.addi %mul3A_100, %add3A_101 : vector<16xi32>
      %swap3A_103 = arith.index_cast %add3A_53 : i32 to index
      %swap3A_104 = arith.constant 48 : index
      %swap3A_105 = tpu.vector_load %arg6[%swap3A_103, %swap3A_104] {strides = array<i32>} : memref<157x128xi32, #tpu.memory_space<vmem>>, vector<1x16xi32>,
      %swap3A_106 = vector.shape_cast %swap3A_105 : vector<1x16xi32> to vector<16xi32>
      %swap3A_107 = vector.shape_cast %add3A_102 : vector<16xi32> to vector<1x16xi32>
      tpu.vector_store %arg6[%swap3A_103, %swap3A_104], %swap3A_107 {strides = array<i32>} : memref<157x128xi32, #tpu.memory_space<vmem>>, vector<1x16xi32>,
      %get3A_108 = arith.index_cast %add3A_53 : i32 to index
      %get3A_109 = arith.constant 64 : index
      %get3A_110 = tpu.vector_load %arg6[%get3A_108, %get3A_109] {strides = array<i32>} : memref<157x128xi32, #tpu.memory_space<vmem>>, vector<1x16xi32>,
      %get3A_111 = vector.shape_cast %get3A_110 : vector<1x16xi32> to vector<16xi32>
      %mul3A_112 = arith.constant 2 : i32
      %mul3A_113 = vector.broadcast %mul3A_112 : i32 to vector<16xi32>
      %mul3A_114 = arith.muli %get3A_111, %mul3A_113 : vector<16xi32>
      %add3A_115 = vector.broadcast %arg0 : i32 to vector<16xi32>
      %add3A_116 = arith.addi %mul3A_114, %add3A_115 : vector<16xi32>
      %swap3A_117 = arith.index_cast %add3A_53 : i32 to index
      %swap3A_118 = arith.constant 64 : index
      %swap3A_119 = tpu.vector_load %arg6[%swap3A_117, %swap3A_118] {strides = array<i32>} : memref<157x128xi32, #tpu.memory_space<vmem>>, vector<1x16xi32>,
      %swap3A_120 = vector.shape_cast %swap3A_119 : vector<1x16xi32> to vector<16xi32>
      %swap3A_121 = vector.shape_cast %add3A_116 : vector<16xi32> to vector<1x16xi32>
      tpu.vector_store %arg6[%swap3A_117, %swap3A_118], %swap3A_121 {strides = array<i32>} : memref<157x128xi32, #tpu.memory_space<vmem>>, vector<1x16xi32>,
      %get3A_122 = arith.index_cast %add3A_53 : i32 to index
      %get3A_123 = arith.constant 80 : index
      %get3A_124 = tpu.vector_load %arg6[%get3A_122, %get3A_123] {strides = array<i32>} : memref<157x128xi32, #tpu.memory_space<vmem>>, vector<1x16xi32>,
      %get3A_125 = vector.shape_cast %get3A_124 : vector<1x16xi32> to vector<16xi32>
      %mul3A_126 = arith.constant 2 : i32
      %mul3A_127 = vector.broadcast %mul3A_126 : i32 to vector<16xi32>
      %mul3A_128 = arith.muli %get3A_125, %mul3A_127 : vector<16xi32>
      %add3A_129 = vector.broadcast %arg0 : i32 to vector<16xi32>
      %add3A_130 = arith.addi %mul3A_128, %add3A_129 : vector<16xi32>
      %swap3A_131 = arith.index_cast %add3A_53 : i32 to index
      %swap3A_132 = arith.constant 80 : index
      %swap3A_133 = tpu.vector_load %arg6[%swap3A_131, %swap3A_132] {strides = array<i32>} : memref<157x128xi32, #tpu.memory_space<vmem>>, vector<1x16xi32>,
      %swap3A_134 = vector.shape_cast %swap3A_133 : vector<1x16xi32> to vector<16xi32>
      %swap3A_135 = vector.shape_cast %add3A_130 : vector<16xi32> to vector<1x16xi32>
      tpu.vector_store %arg6[%swap3A_131, %swap3A_132], %swap3A_135 {strides = array<i32>} : memref<157x128xi32, #tpu.memory_space<vmem>>, vector<1x16xi32>,
      %get3A_136 = arith.index_cast %add3A_53 : i32 to index
      %get3A_137 = arith.constant 96 : index
      %get3A_138 = tpu.vector_load %arg6[%get3A_136, %get3A_137] {strides = array<i32>} : memref<157x128xi32, #tpu.memory_space<vmem>>, vector<1x16xi32>,
      %get3A_139 = vector.shape_cast %get3A_138 : vector<1x16xi32> to vector<16xi32>
      %mul3A_140 = arith.constant 2 : i32
      %mul3A_141 = vector.broadcast %mul3A_140 : i32 to vector<16xi32>
      %mul3A_142 = arith.muli %get3A_139, %mul3A_141 : vector<16xi32>
      %add3A_143 = vector.broadcast %arg0 : i32 to vector<16xi32>
      %add3A_144 = arith.addi %mul3A_142, %add3A_143 : vector<16xi32>
      %swap3A_145 = arith.index_cast %add3A_53 : i32 to index
      %swap3A_146 = arith.constant 96 : index
      %swap3A_147 = tpu.vector_load %arg6[%swap3A_145, %swap3A_146] {strides = array<i32>} : memref<157x128xi32, #tpu.memory_space<vmem>>, vector<1x16xi32>,
      %swap3A_148 = vector.shape_cast %swap3A_147 : vector<1x16xi32> to vector<16xi32>
      %swap3A_149 = vector.shape_cast %add3A_144 : vector<16xi32> to vector<1x16xi32>
      tpu.vector_store %arg6[%swap3A_145, %swap3A_146], %swap3A_149 {strides = array<i32>} : memref<157x128xi32, #tpu.memory_space<vmem>>, vector<1x16xi32>,
      %get3A_150 = arith.index_cast %add3A_53 : i32 to index
      %get3A_151 = arith.constant 112 : index
      %get3A_152 = tpu.vector_load %arg6[%get3A_150, %get3A_151] {strides = array<i32>} : memref<157x128xi32, #tpu.memory_space<vmem>>, vector<1x16xi32>,
      %get3A_153 = vector.shape_cast %get3A_152 : vector<1x16xi32> to vector<16xi32>
      %mul3A_154 = arith.constant 2 : i32
      %mul3A_155 = vector.broadcast %mul3A_154 : i32 to vector<16xi32>
      %mul3A_156 = arith.muli %get3A_153, %mul3A_155 : vector<16xi32>
      %add3A_157 = vector.broadcast %arg0 : i32 to vector<16xi32>
      %add3A_158 = arith.addi %mul3A_156, %add3A_157 : vector<16xi32>
      %swap3A_159 = arith.index_cast %add3A_53 : i32 to index
      %swap3A_160 = arith.constant 112 : index
      %swap3A_161 = tpu.vector_load %arg6[%swap3A_159, %swap3A_160] {strides = array<i32>} : memref<157x128xi32, #tpu.memory_space<vmem>>, vector<1x16xi32>,
      %swap3A_162 = vector.shape_cast %swap3A_161 : vector<1x16xi32> to vector<16xi32>
      %swap3A_163 = vector.shape_cast %add3A_158 : vector<16xi32> to vector<1x16xi32>
      tpu.vector_store %arg6[%swap3A_159, %swap3A_160], %swap3A_163 {strides = array<i32>} : memref<157x128xi32, #tpu.memory_space<vmem>>, vector<1x16xi32>,
    }
    %scan3A_26 = arith.constant 157 : i32
    %dma_start3A = arith.constant 0 : i32
    %dma_start3A_27 = arith.constant 0 : i32
    %dma_start3A_28 = tpu.memref_slice %arg6[%dma_start3A, %dma_start3A_27] : memref<157x128xi32, #tpu.memory_space<vmem>> -> memref<1x128xi32, #tpu.memory_space<vmem>>
    %dma_start3A_29 = tpu.memref_squeeze %dma_start3A_28 : memref<1x128xi32, #tpu.memory_space<vmem>> -> memref<128xi32, #tpu.memory_space<vmem>>
    %dma_start3A_30 = arith.constant 0 : i32
    %dma_start3A_31 = arith.constant 0 : i32
    %dma_start3A_32 = tpu.memref_slice %arg2[%dma_start3A_30, %dma_start3A_31] : memref<220000x64xf32, #tpu.memory_space<hbm>> -> memref<220000x64xf32, #tpu.memory_space<hbm>>
    tpu.enqueue_indirect_dma source(%dma_start3A_32 : memref<220000x64xf32, #tpu.memory_space<hbm>>) target(%arg8 : memref<128x64xf32, #tpu.memory_space<vmem>>) offsets(%dma_start3A_29 : memref<128xi32, #tpu.memory_space<vmem>>) semaphore(%arg11 : memref<!tpu.dma_semaphore, #tpu.memory_space<semaphore_mem>>)
    %scan3A_33 = arith.constant 0 : i32
    %scan3A_34 = arith.constant 78 : i32
    %scan3A_35 = arith.addi %scan3A_33, %scan3A_34 : i32
    %scan3A_36 = arith.constant 1 : i32
    scf.for %scan3A_49 = %scan3A_33 to %scan3A_35 step %scan3A_36  : i32 {
      %mul3A_50 = arith.constant 1 : i32
      %mul3A_51 = arith.muli %scan3A_49, %mul3A_50 : i32
      %add3A_52 = arith.constant 0 : i32
      %add3A_53 = arith.addi %add3A_52, %mul3A_51 : i32
      %mul3A_54 = arith.constant 2 : i32
      %mul3A_55 = arith.muli %mul3A_54, %add3A_53 : i32
      %add3A_56 = arith.constant 1 : i32
      %add3A_57 = arith.addi %mul3A_55, %add3A_56 : i32
      %dma_start3A_58 = arith.constant 0 : i32
      %dma_start3A_59 = tpu.memref_slice %arg6[%add3A_57, %dma_start3A_58] : memref<157x128xi32, #tpu.memory_space<vmem>> -> memref<1x128xi32, #tpu.memory_space<vmem>>
      %dma_start3A_60 = tpu.memref_squeeze %dma_start3A_59 : memref<1x128xi32, #tpu.memory_space<vmem>> -> memref<128xi32, #tpu.memory_space<vmem>>
      %dma_start3A_61 = arith.constant 0 : i32
      %dma_start3A_62 = arith.constant 0 : i32
      %dma_start3A_63 = tpu.memref_slice %arg2[%dma_start3A_61, %dma_start3A_62] : memref<220000x64xf32, #tpu.memory_space<hbm>> -> memref<220000x64xf32, #tpu.memory_space<hbm>>
      tpu.enqueue_indirect_dma source(%dma_start3A_63 : memref<220000x64xf32, #tpu.memory_space<hbm>>) target(%arg9 : memref<128x64xf32, #tpu.memory_space<vmem>>) offsets(%dma_start3A_60 : memref<128xi32, #tpu.memory_space<vmem>>) semaphore(%arg12 : memref<!tpu.dma_semaphore, #tpu.memory_space<semaphore_mem>>)
      %dma_wait3A_64 = arith.constant 0 : i32
      %dma_wait3A_65 = tpu.memref_slice %arg6[%mul3A_55, %dma_wait3A_64] : memref<157x128xi32, #tpu.memory_space<vmem>> -> memref<1x128xi32, #tpu.memory_space<vmem>>
      %dma_wait3A_66 = tpu.memref_squeeze %dma_wait3A_65 : memref<1x128xi32, #tpu.memory_space<vmem>> -> memref<128xi32, #tpu.memory_space<vmem>>
      %dma_wait3A_67 = arith.constant 0 : i32
      %dma_wait3A_68 = arith.constant 0 : i32
      %dma_wait3A_69 = tpu.memref_slice %arg2[%dma_wait3A_67, %dma_wait3A_68] : memref<220000x64xf32, #tpu.memory_space<hbm>> -> memref<220000x64xf32, #tpu.memory_space<hbm>>
      tpu.wait_indirect_dma semaphore(%arg11 : memref<!tpu.dma_semaphore, #tpu.memory_space<semaphore_mem>>) src(%dma_wait3A_69 : memref<220000x64xf32, #tpu.memory_space<hbm>>) dst(%arg8 : memref<128x64xf32, #tpu.memory_space<vmem>>)
      "tpu.region"() ({
        %run_scoped3A_88 = tpu.sem_alloc : memref<!tpu.dma_semaphore, #tpu.memory_space<semaphore_mem>>
        %dma_start3A_89 = arith.constant 0 : i32
        %dma_start3A_90 = tpu.memref_slice %arg7[%mul3A_55, %dma_start3A_89] : memref<157x128xi32, #tpu.memory_space<vmem>> -> memref<1x128xi32, #tpu.memory_space<vmem>>
        %dma_start3A_91 = tpu.memref_squeeze %dma_start3A_90 : memref<1x128xi32, #tpu.memory_space<vmem>> -> memref<128xi32, #tpu.memory_space<vmem>>
        %dma_start3A_92 = arith.constant 0 : i32
        %dma_start3A_93 = arith.constant 0 : i32
        %dma_start3A_94 = tpu.memref_slice %arg10[%dma_start3A_92, %dma_start3A_93] : memref<10112x64xf32, #tpu.memory_space<vmem_shared>> -> memref<10112x64xf32, #tpu.memory_space<vmem_shared>>
        tpu.enqueue_indirect_dma source(%arg8 : memref<128x64xf32, #tpu.memory_space<vmem>>) target(%dma_start3A_94 : memref<10112x64xf32, #tpu.memory_space<vmem_shared>>) offsets(%dma_start3A_91 : memref<128xi32, #tpu.memory_space<vmem>>) semaphore(%run_scoped3A_88 : memref<!tpu.dma_semaphore, #tpu.memory_space<semaphore_mem>>) {add = true}
        %dma_wait3A_95 = arith.constant 0 : i32
        %dma_wait3A_96 = tpu.memref_slice %arg7[%mul3A_55, %dma_wait3A_95] : memref<157x128xi32, #tpu.memory_space<vmem>> -> memref<1x128xi32, #tpu.memory_space<vmem>>
        %dma_wait3A_97 = tpu.memref_squeeze %dma_wait3A_96 : memref<1x128xi32, #tpu.memory_space<vmem>> -> memref<128xi32, #tpu.memory_space<vmem>>
        %dma_wait3A_98 = arith.constant 0 : i32
        %dma_wait3A_99 = arith.constant 0 : i32
        %dma_wait3A_100 = tpu.memref_slice %arg10[%dma_wait3A_98, %dma_wait3A_99] : memref<10112x64xf32, #tpu.memory_space<vmem_shared>> -> memref<10112x64xf32, #tpu.memory_space<vmem_shared>>
        tpu.wait_indirect_dma semaphore(%run_scoped3A_88 : memref<!tpu.dma_semaphore, #tpu.memory_space<semaphore_mem>>) src(%arg8 : memref<128x64xf32, #tpu.memory_space<vmem>>) dst(%dma_wait3A_100 : memref<10112x64xf32, #tpu.memory_space<vmem_shared>>)
        tpu.yield
      }) : () -> ()
      %add3A_70 = arith.constant 2 : i32
      %add3A_71 = arith.addi %mul3A_55, %add3A_70 : i32
      %dma_start3A_72 = arith.constant 0 : i32
      %dma_start3A_73 = tpu.memref_slice %arg6[%add3A_71, %dma_start3A_72] : memref<157x128xi32, #tpu.memory_space<vmem>> -> memref<1x128xi32, #tpu.memory_space<vmem>>
      %dma_start3A_74 = tpu.memref_squeeze %dma_start3A_73 : memref<1x128xi32, #tpu.memory_space<vmem>> -> memref<128xi32, #tpu.memory_space<vmem>>
      %dma_start3A_75 = arith.constant 0 : i32
      %dma_start3A_76 = arith.constant 0 : i32
      %dma_start3A_77 = tpu.memref_slice %arg2[%dma_start3A_75, %dma_start3A_76] : memref<220000x64xf32, #tpu.memory_space<hbm>> -> memref<220000x64xf32, #tpu.memory_space<hbm>>
      tpu.enqueue_indirect_dma source(%dma_start3A_77 : memref<220000x64xf32, #tpu.memory_space<hbm>>) target(%arg8 : memref<128x64xf32, #tpu.memory_space<vmem>>) offsets(%dma_start3A_74 : memref<128xi32, #tpu.memory_space<vmem>>) semaphore(%arg11 : memref<!tpu.dma_semaphore, #tpu.memory_space<semaphore_mem>>)
      %add3A_78 = arith.constant 1 : i32
      %add3A_79 = arith.addi %mul3A_55, %add3A_78 : i32
      %dma_wait3A_80 = arith.constant 0 : i32
      %dma_wait3A_81 = tpu.memref_slice %arg6[%add3A_79, %dma_wait3A_80] : memref<157x128xi32, #tpu.memory_space<vmem>> -> memref<1x128xi32, #tpu.memory_space<vmem>>
      %dma_wait3A_82 = tpu.memref_squeeze %dma_wait3A_81 : memref<1x128xi32, #tpu.memory_space<vmem>> -> memref<128xi32, #tpu.memory_space<vmem>>
      %dma_wait3A_83 = arith.constant 0 : i32
      %dma_wait3A_84 = arith.constant 0 : i32
      %dma_wait3A_85 = tpu.memref_slice %arg2[%dma_wait3A_83, %dma_wait3A_84] : memref<220000x64xf32, #tpu.memory_space<hbm>> -> memref<220000x64xf32, #tpu.memory_space<hbm>>
      tpu.wait_indirect_dma semaphore(%arg12 : memref<!tpu.dma_semaphore, #tpu.memory_space<semaphore_mem>>) src(%dma_wait3A_85 : memref<220000x64xf32, #tpu.memory_space<hbm>>) dst(%arg9 : memref<128x64xf32, #tpu.memory_space<vmem>>)
      %add3A_86 = arith.constant 1 : i32
      %add3A_87 = arith.addi %mul3A_55, %add3A_86 : i32
      "tpu.region"() ({
        %run_scoped3A_88 = tpu.sem_alloc : memref<!tpu.dma_semaphore, #tpu.memory_space<semaphore_mem>>
        %dma_start3A_89 = arith.constant 0 : i32
        %dma_start3A_90 = tpu.memref_slice %arg7[%add3A_87, %dma_start3A_89] : memref<157x128xi32, #tpu.memory_space<vmem>> -> memref<1x128xi32, #tpu.memory_space<vmem>>
        %dma_start3A_91 = tpu.memref_squeeze %dma_start3A_90 : memref<1x128xi32, #tpu.memory_space<vmem>> -> memref<128xi32, #tpu.memory_space<vmem>>
        %dma_start3A_92 = arith.constant 0 : i32
        %dma_start3A_93 = arith.constant 0 : i32
        %dma_start3A_94 = tpu.memref_slice %arg10[%dma_start3A_92, %dma_start3A_93] : memref<10112x64xf32, #tpu.memory_space<vmem_shared>> -> memref<10112x64xf32, #tpu.memory_space<vmem_shared>>
        tpu.enqueue_indirect_dma source(%arg9 : memref<128x64xf32, #tpu.memory_space<vmem>>) target(%dma_start3A_94 : memref<10112x64xf32, #tpu.memory_space<vmem_shared>>) offsets(%dma_start3A_91 : memref<128xi32, #tpu.memory_space<vmem>>) semaphore(%run_scoped3A_88 : memref<!tpu.dma_semaphore, #tpu.memory_space<semaphore_mem>>) {add = true}
        %dma_wait3A_95 = arith.constant 0 : i32
        %dma_wait3A_96 = tpu.memref_slice %arg7[%add3A_87, %dma_wait3A_95] : memref<157x128xi32, #tpu.memory_space<vmem>> -> memref<1x128xi32, #tpu.memory_space<vmem>>
        %dma_wait3A_97 = tpu.memref_squeeze %dma_wait3A_96 : memref<1x128xi32, #tpu.memory_space<vmem>> -> memref<128xi32, #tpu.memory_space<vmem>>
        %dma_wait3A_98 = arith.constant 0 : i32
        %dma_wait3A_99 = arith.constant 0 : i32
        %dma_wait3A_100 = tpu.memref_slice %arg10[%dma_wait3A_98, %dma_wait3A_99] : memref<10112x64xf32, #tpu.memory_space<vmem_shared>> -> memref<10112x64xf32, #tpu.memory_space<vmem_shared>>
        tpu.wait_indirect_dma semaphore(%run_scoped3A_88 : memref<!tpu.dma_semaphore, #tpu.memory_space<semaphore_mem>>) src(%arg9 : memref<128x64xf32, #tpu.memory_space<vmem>>) dst(%dma_wait3A_100 : memref<10112x64xf32, #tpu.memory_space<vmem_shared>>)
        tpu.yield
      }) : () -> ()
    }
    %scan3A_37 = arith.constant 78 : i32
    %dma_wait3A = arith.constant 156 : i32
    %dma_wait3A_38 = arith.constant 0 : i32
    %dma_wait3A_39 = tpu.memref_slice %arg6[%dma_wait3A, %dma_wait3A_38] : memref<157x128xi32, #tpu.memory_space<vmem>> -> memref<1x128xi32, #tpu.memory_space<vmem>>
    %dma_wait3A_40 = tpu.memref_squeeze %dma_wait3A_39 : memref<1x128xi32, #tpu.memory_space<vmem>> -> memref<128xi32, #tpu.memory_space<vmem>>
    %dma_wait3A_41 = arith.constant 0 : i32
    %dma_wait3A_42 = arith.constant 0 : i32
    %dma_wait3A_43 = tpu.memref_slice %arg2[%dma_wait3A_41, %dma_wait3A_42] : memref<220000x64xf32, #tpu.memory_space<hbm>> -> memref<220000x64xf32, #tpu.memory_space<hbm>>
    tpu.wait_indirect_dma semaphore(%arg11 : memref<!tpu.dma_semaphore, #tpu.memory_space<semaphore_mem>>) src(%dma_wait3A_43 : memref<220000x64xf32, #tpu.memory_space<hbm>>) dst(%arg8 : memref<128x64xf32, #tpu.memory_space<vmem>>)
    %run_scoped3A = arith.constant 156 : i32
    "tpu.region"() ({
      %run_scoped3A_49 = tpu.sem_alloc : memref<!tpu.dma_semaphore, #tpu.memory_space<semaphore_mem>>
      %dma_start3A_50 = arith.constant 0 : i32
      %dma_start3A_51 = tpu.memref_slice %arg7[%run_scoped3A, %dma_start3A_50] : memref<157x128xi32, #tpu.memory_space<vmem>> -> memref<1x128xi32, #tpu.memory_space<vmem>>
      %dma_start3A_52 = tpu.memref_squeeze %dma_start3A_51 : memref<1x128xi32, #tpu.memory_space<vmem>> -> memref<128xi32, #tpu.memory_space<vmem>>
      %dma_start3A_53 = arith.constant 0 : i32
      %dma_start3A_54 = arith.constant 0 : i32
      %dma_start3A_55 = tpu.memref_slice %arg10[%dma_start3A_53, %dma_start3A_54] : memref<10112x64xf32, #tpu.memory_space<vmem_shared>> -> memref<10112x64xf32, #tpu.memory_space<vmem_shared>>
      tpu.enqueue_indirect_dma source(%arg8 : memref<128x64xf32, #tpu.memory_space<vmem>>) target(%dma_start3A_55 : memref<10112x64xf32, #tpu.memory_space<vmem_shared>>) offsets(%dma_start3A_52 : memref<128xi32, #tpu.memory_space<vmem>>) semaphore(%run_scoped3A_49 : memref<!tpu.dma_semaphore, #tpu.memory_space<semaphore_mem>>) {add = true}
      %dma_wait3A_56 = arith.constant 0 : i32
      %dma_wait3A_57 = tpu.memref_slice %arg7[%run_scoped3A, %dma_wait3A_56] : memref<157x128xi32, #tpu.memory_space<vmem>> -> memref<1x128xi32, #tpu.memory_space<vmem>>
      %dma_wait3A_58 = tpu.memref_squeeze %dma_wait3A_57 : memref<1x128xi32, #tpu.memory_space<vmem>> -> memref<128xi32, #tpu.memory_space<vmem>>
      %dma_wait3A_59 = arith.constant 0 : i32
      %dma_wait3A_60 = arith.constant 0 : i32
      %dma_wait3A_61 = tpu.memref_slice %arg10[%dma_wait3A_59, %dma_wait3A_60] : memref<10112x64xf32, #tpu.memory_space<vmem_shared>> -> memref<10112x64xf32, #tpu.memory_space<vmem_shared>>
      tpu.wait_indirect_dma semaphore(%run_scoped3A_49 : memref<!tpu.dma_semaphore, #tpu.memory_space<semaphore_mem>>) src(%arg8 : memref<128x64xf32, #tpu.memory_space<vmem>>) dst(%dma_wait3A_61 : memref<10112x64xf32, #tpu.memory_space<vmem_shared>>)
      tpu.yield
    }) : () -> ()
    %barrier3A_44 = arith.constant 0 : index
    tpu.barrier barrier_id(%barrier3A_44)
    %mul3A_45 = arith.constant 632 : i32
    %mul3A_46 = arith.muli %arg1, %mul3A_45 : i32
    %mul3A_47 = arith.constant 632 : i32
    %mul3A_48 = arith.muli %arg1, %mul3A_47 : i32
    "tpu.region"() ({
      %run_scoped3A_49 = tpu.sem_alloc : memref<!tpu.dma_semaphore, #tpu.memory_space<semaphore_mem>>
      %dma_start3A_50 = arith.constant 0 : i32
      %dma_start3A_51 = tpu.memref_slice %arg5[%arg0, %mul3A_48, %dma_start3A_50] : memref<2x10112x64xf32, #tpu.memory_space<hbm>> -> memref<1x632x64xf32, #tpu.memory_space<hbm>>
      %dma_start3A_52 = tpu.memref_squeeze %dma_start3A_51 : memref<1x632x64xf32, #tpu.memory_space<hbm>> -> memref<632x64xf32, #tpu.memory_space<hbm>>
      %dma_start3A_53 = arith.constant 0 : i32
      %dma_start3A_54 = tpu.memref_slice %arg10[%mul3A_46, %dma_start3A_53] : memref<10112x64xf32, #tpu.memory_space<vmem_shared>> -> memref<632x64xf32, #tpu.memory_space<vmem_shared>>
      tpu.enqueue_dma source(%dma_start3A_54 : memref<632x64xf32, #tpu.memory_space<vmem_shared>>) target(%dma_start3A_52 : memref<632x64xf32, #tpu.memory_space<hbm>>) target_semaphore(%run_scoped3A_49 : memref<!tpu.dma_semaphore, #tpu.memory_space<semaphore_mem>>)
      %dma_wait3A_55 = arith.constant 0 : i32
      %dma_wait3A_56 = tpu.memref_slice %arg5[%arg0, %mul3A_48, %dma_wait3A_55] : memref<2x10112x64xf32, #tpu.memory_space<hbm>> -> memref<1x632x64xf32, #tpu.memory_space<hbm>>
      %dma_wait3A_57 = tpu.memref_squeeze %dma_wait3A_56 : memref<1x632x64xf32, #tpu.memory_space<hbm>> -> memref<632x64xf32, #tpu.memory_space<hbm>>
      %dma_wait3A_58 = arith.constant 0 : i32
      %dma_wait3A_59 = tpu.memref_slice %arg10[%mul3A_46, %dma_wait3A_58] : memref<10112x64xf32, #tpu.memory_space<vmem_shared>> -> memref<632x64xf32, #tpu.memory_space<vmem_shared>>
      tpu.wait_dma2 semaphore(%run_scoped3A_49 : memref<!tpu.dma_semaphore, #tpu.memory_space<semaphore_mem>>) src(%dma_wait3A_59 : memref<632x64xf32, #tpu.memory_space<vmem_shared>>) dst(%dma_wait3A_57 : memref<632x64xf32, #tpu.memory_space<hbm>>)
      tpu.yield
    }) : () -> ()
    return
  }
}

module attributes {stable_mosaic.version = 14 : i64} {
  func.func @_transform_body(%arg0: i32, %arg1: i32, %arg2: memref<10000x128xf32, #tpu.memory_space<vmem>>, %arg3: memref<1x128x128xf32, #tpu.memory_space<vmem>>, %arg4: memref<1x1x128xf32, #tpu.memory_space<vmem>>, %arg5: memref<1x10000x128xf32, #tpu.memory_space<vmem>>) attributes {dimension_semantics = [#tpu.dimension_semantics<arbitrary>, #tpu.dimension_semantics<arbitrary>], iteration_bounds = array<i64: 1, 11>, scalar_prefetch = 0 : i64, scratch_operands = 0 : i64, tpu.core_type = #tpu.core_type<tc>, window_params = [{transform_indices = @transform_0, window_bounds = array<i64: 10000, 128>}, {transform_indices = @transform_1, window_bounds = array<i64: 1, 128, 128>}, {transform_indices = @transform_2, window_bounds = array<i64: 1, 1, 128>}, {transform_indices = @transform_3, window_bounds = array<i64: 1, 10000, 128>}]} {
    %get3A = arith.constant 0 : index
    %get3A_0 = arith.constant 0 : index
    %get3A_1 = vector.load %arg2[%get3A, %get3A_0] : memref<10000x128xf32, #tpu.memory_space<vmem>>, vector<10000x128xf32>
    %get3A_2 = arith.constant 0 : index
    %get3A_3 = arith.constant 0 : index
    %get3A_4 = arith.constant 0 : index
    %get3A_5 = vector.load %arg3[%get3A_2, %get3A_3, %get3A_4] : memref<1x128x128xf32, #tpu.memory_space<vmem>>, vector<1x128x128xf32>
    %get3A_6 = vector.shape_cast %get3A_5 : vector<1x128x128xf32> to vector<128x128xf32>
    %dot_general3A = arith.constant dense<0.000000e+00> : vector<10000x128xf32>
    %dot_general3A_7 = tpu.matmul %get3A_1, %get3A_6, %dot_general3A {dimension_numbers = #tpu.dot_dimension_numbers<[1], [0], [0], [1], [0, 0, 1, 1], [], []>, transpose_lhs_hint = false} : vector<10000x128xf32>, vector<128x128xf32>, vector<10000x128xf32> -> vector<10000x128xf32>
    %get3A_8 = arith.constant 0 : index
    %get3A_9 = arith.constant 0 : index
    %get3A_10 = arith.constant 0 : index
    %get3A_11 = vector.load %arg4[%get3A_8, %get3A_9, %get3A_10] : memref<1x1x128xf32, #tpu.memory_space<vmem>>, vector<1x1x128xf32>
    %get3A_12 = vector.shape_cast %get3A_11 : vector<1x1x128xf32> to vector<1x128xf32>
    %add3A = vector.broadcast %get3A_12 : vector<1x128xf32> to vector<10000x128xf32>
    %add3A_13 = arith.addf %dot_general3A_7, %add3A : vector<10000x128xf32>
    %swap3A = arith.constant 0 : index
    %swap3A_14 = arith.constant 0 : index
    %swap3A_15 = arith.constant 0 : index
    %swap3A_16 = vector.load %arg5[%swap3A, %swap3A_14, %swap3A_15] : memref<1x10000x128xf32, #tpu.memory_space<vmem>>, vector<1x10000x128xf32>
    %swap3A_17 = vector.shape_cast %swap3A_16 : vector<1x10000x128xf32> to vector<10000x128xf32>
    %swap3A_18 = vector.shape_cast %add3A_13 : vector<10000x128xf32> to vector<1x10000x128xf32>
    tpu.vector_store %arg5[%swap3A, %swap3A_14, %swap3A_15], %swap3A_18 {strides = array<i32>} : memref<1x10000x128xf32, #tpu.memory_space<vmem>>, vector<1x10000x128xf32>,
    return
  }
  func.func @transform_0(%arg0: i32, %arg1: i32) -> (i32, i32) {
    %c0_i32 = arith.constant 0 : i32
    %c0_i32_0 = arith.constant 0 : i32
    return %arg0, %c0_i32 : i32, i32
  }
  func.func @transform_1(%arg0: i32, %arg1: i32) -> (i32, i32, i32) {
    %c0_i32 = arith.constant 0 : i32
    %c0_i32_0 = arith.constant 0 : i32
    %c0_i32_1 = arith.constant 0 : i32
    return %arg1, %c0_i32, %c0_i32_0 : i32, i32, i32
  }
  func.func @transform_2(%arg0: i32, %arg1: i32) -> (i32, i32, i32) {
    %c0_i32 = arith.constant 0 : i32
    %c0_i32_0 = arith.constant 0 : i32
    %c0_i32_1 = arith.constant 0 : i32
    return %arg1, %c0_i32, %c0_i32_0 : i32, i32, i32
  }
  func.func @transform_3(%arg0: i32, %arg1: i32) -> (i32, i32, i32) {
    %c0_i32 = arith.constant 0 : i32
    %c0_i32_0 = arith.constant 0 : i32
    return %arg1, %arg0, %c0_i32 : i32, i32, i32
  }
}

module attributes {stable_mosaic.version = 14 : i64} {
  func.func @_ln_body(%arg0: i32, %arg1: memref<1x10000x128xf32, #tpu.memory_space<vmem>>, %arg2: memref<2x10000x64xf32, #tpu.memory_space<vmem>>, %arg3: memref<1x128xf32, #tpu.memory_space<vmem>>, %arg4: memref<1x128xf32, #tpu.memory_space<vmem>>, %arg5: memref<10000x128xf32, #tpu.memory_space<vmem>>) attributes {dimension_semantics = [#tpu.dimension_semantics<arbitrary>], iteration_bounds = array<i64: 1>, scalar_prefetch = 0 : i64, scratch_operands = 0 : i64, tpu.core_type = #tpu.core_type<tc>, window_params = [{transform_indices = @transform_0, window_bounds = array<i64: 1, 10000, 128>}, {transform_indices = @transform_1, window_bounds = array<i64: 2, 10000, 64>}, {pipeline_mode = #tpu.pipeline_mode<synchronous>, transform_indices = @transform_2, window_bounds = array<i64: 1, 128>}, {pipeline_mode = #tpu.pipeline_mode<synchronous>, transform_indices = @transform_3, window_bounds = array<i64: 1, 128>}, {transform_indices = @transform_4, window_bounds = array<i64: 10000, 128>}]} {
    %get3A = arith.constant 0 : index
    %get3A_0 = arith.constant 0 : index
    %get3A_1 = arith.constant 0 : index
    %get3A_2 = vector.load %arg1[%get3A, %get3A_0, %get3A_1] : memref<1x10000x128xf32, #tpu.memory_space<vmem>>, vector<1x10000x128xf32>
    %get3A_3 = vector.shape_cast %get3A_2 : vector<1x10000x128xf32> to vector<10000x128xf32>
    %get3A_4 = arith.constant 0 : index
    %get3A_5 = arith.constant 0 : index
    %get3A_6 = arith.constant 0 : index
    %get3A_7 = vector.load %arg2[%get3A_4, %get3A_5, %get3A_6] : memref<2x10000x64xf32, #tpu.memory_space<vmem>>, vector<1x10000x64xf32>
    %get3A_8 = vector.shape_cast %get3A_7 : vector<1x10000x64xf32> to vector<10000x64xf32>
    %get3A_9 = arith.constant 1 : index
    %get3A_10 = arith.constant 0 : index
    %get3A_11 = arith.constant 0 : index
    %get3A_12 = vector.load %arg2[%get3A_9, %get3A_10, %get3A_11] : memref<2x10000x64xf32, #tpu.memory_space<vmem>>, vector<1x10000x64xf32>
    %get3A_13 = vector.shape_cast %get3A_12 : vector<1x10000x64xf32> to vector<10000x64xf32>
    %concatenate3A = tpu.concatenate %get3A_8, %get3A_13 in 1 : vector<10000x64xf32>, vector<10000x64xf32> -> vector<10000x128xf32>
    %add3A = arith.addf %get3A_3, %concatenate3A : vector<10000x128xf32>
    %reduce_sum3A = arith.constant dense<0.000000e+00> : vector<10000xf32>
    %reduce_sum3A_14 = vector.multi_reduction <add>, %add3A, %reduce_sum3A [1] : vector<10000x128xf32> to vector<10000xf32>
    %broadcast_in_dim3A = vector.shape_cast %reduce_sum3A_14 : vector<10000xf32> to vector<10000x1xf32>
    %div3A = arith.constant 1.280000e+02 : f32
    %div3A_15 = vector.broadcast %div3A : f32 to vector<10000x1xf32>
    %div3A_16 = arith.divf %broadcast_in_dim3A, %div3A_15 : vector<10000x1xf32>
    %sub3A = vector.broadcast %div3A_16 : vector<10000x1xf32> to vector<10000x128xf32>
    %sub3A_17 = arith.subf %add3A, %sub3A : vector<10000x128xf32>
    %mul3A = arith.mulf %sub3A_17, %sub3A_17 : vector<10000x128xf32>
    %reduce_sum3A_18 = arith.constant dense<0.000000e+00> : vector<10000xf32>
    %reduce_sum3A_19 = vector.multi_reduction <add>, %mul3A, %reduce_sum3A_18 [1] : vector<10000x128xf32> to vector<10000xf32>
    %broadcast_in_dim3A_20 = vector.shape_cast %reduce_sum3A_19 : vector<10000xf32> to vector<10000x1xf32>
    %div3A_21 = arith.constant 1.280000e+02 : f32
    %div3A_22 = vector.broadcast %div3A_21 : f32 to vector<10000x1xf32>
    %div3A_23 = arith.divf %broadcast_in_dim3A_20, %div3A_22 : vector<10000x1xf32>
    %add3A_24 = arith.constant 9.99999974E-6 : f32
    %add3A_25 = vector.broadcast %add3A_24 : f32 to vector<10000x1xf32>
    %add3A_26 = arith.addf %div3A_23, %add3A_25 : vector<10000x1xf32>
    %rsqrt3A = math.rsqrt %add3A_26 : vector<10000x1xf32>
    %mul3A_27 = vector.broadcast %rsqrt3A : vector<10000x1xf32> to vector<10000x128xf32>
    %mul3A_28 = arith.mulf %sub3A_17, %mul3A_27 : vector<10000x128xf32>
    %get3A_29 = arith.constant 0 : index
    %get3A_30 = arith.constant 0 : index
    %get3A_31 = vector.load %arg3[%get3A_29, %get3A_30] : memref<1x128xf32, #tpu.memory_space<vmem>>, vector<1x128xf32>
    %get3A_32 = vector.shape_cast %get3A_31 : vector<1x128xf32> to vector<128xf32>
    %broadcast_in_dim3A_33 = vector.shape_cast %get3A_32 : vector<128xf32> to vector<1x128xf32>
    %mul3A_34 = vector.broadcast %broadcast_in_dim3A_33 : vector<1x128xf32> to vector<10000x128xf32>
    %mul3A_35 = arith.mulf %mul3A_28, %mul3A_34 : vector<10000x128xf32>
    %get3A_36 = arith.constant 0 : index
    %get3A_37 = arith.constant 0 : index
    %get3A_38 = vector.load %arg4[%get3A_36, %get3A_37] : memref<1x128xf32, #tpu.memory_space<vmem>>, vector<1x128xf32>
    %get3A_39 = vector.shape_cast %get3A_38 : vector<1x128xf32> to vector<128xf32>
    %broadcast_in_dim3A_40 = vector.shape_cast %get3A_39 : vector<128xf32> to vector<1x128xf32>
    %add3A_41 = vector.broadcast %broadcast_in_dim3A_40 : vector<1x128xf32> to vector<10000x128xf32>
    %add3A_42 = arith.addf %mul3A_35, %add3A_41 : vector<10000x128xf32>
    %swap3A = arith.constant 0 : index
    %swap3A_43 = arith.constant 0 : index
    %swap3A_44 = vector.load %arg5[%swap3A, %swap3A_43] : memref<10000x128xf32, #tpu.memory_space<vmem>>, vector<10000x128xf32>
    tpu.vector_store %arg5[%swap3A, %swap3A_43], %add3A_42 {strides = array<i32>} : memref<10000x128xf32, #tpu.memory_space<vmem>>, vector<10000x128xf32>,
    return
  }
  func.func @transform_0(%arg0: i32) -> (i32, i32, i32) {
    %c10_i32 = arith.constant 10 : i32
    %c0_i32 = arith.constant 0 : i32
    %c0_i32_0 = arith.constant 0 : i32
    return %c10_i32, %arg0, %c0_i32 : i32, i32, i32
  }
  func.func @transform_1(%arg0: i32) -> (i32, i32, i32) {
    %c0_i32 = arith.constant 0 : i32
    %c0_i32_0 = arith.constant 0 : i32
    %c0_i32_1 = arith.constant 0 : i32
    return %c0_i32, %arg0, %c0_i32_0 : i32, i32, i32
  }
  func.func @transform_2(%arg0: i32) -> (i32, i32) {
    %c0_i32 = arith.constant 0 : i32
    %c0_i32_0 = arith.constant 0 : i32
    %c0_i32_1 = arith.constant 0 : i32
    return %c0_i32, %c0_i32_0 : i32, i32
  }
  func.func @transform_3(%arg0: i32) -> (i32, i32) {
    %c0_i32 = arith.constant 0 : i32
    %c0_i32_0 = arith.constant 0 : i32
    %c0_i32_1 = arith.constant 0 : i32
    return %c0_i32, %c0_i32_0 : i32, i32
  }
  func.func @transform_4(%arg0: i32) -> (i32, i32) {
    %c0_i32 = arith.constant 0 : i32
    %c0_i32_0 = arith.constant 0 : i32
    return %arg0, %c0_i32 : i32, i32
  }
}

</mosaic_0001>

<sc_bundles>
// kernel: kernel.5.cloned.1.call-start
scs
__scs_entry_jumppad:
0x0: {  	(pc) =	sbr.rel $0x88, $3  }
0x1: {  	(tag) =	ssettag $0x0;
	lr =	simm.s32 $0x1  }
0x2: {  	[smem:$0x3F98] =	sst lr;
	_ =	strace $0xD0000000  }
0x3: {  	_ = 	snop  }
0x4: {  	_ = 	snop  }
0x5: {  	_ = 	snop  }
0x6: {  	_ = 	snop  }
0x7: {  	_ = 	snop  }
__scs_overlays_trampoline_lowered:
0x8: {  	[smem:$0x3FA7] =	sst s0  }
0x9: {  	[smem:$0x3FA8] =	sst s1  }
0xa: {  	[smem:$0x3FA9] =	sst s2  }
0xb: {  	[smem:$0x3FAA] =	sst s3  }
0xc: {  	[smem:$0x3FAB] =	sst s4  }
0xd: {  	[smem:$0x3FAC] =	sst s5  }
0xe: {  	[smem:$0x3FAD] =	sst s6  }
0xf: {  	[smem:$0x3FAE] =	sst s7  }
0x10: {  	[smem:$0x3FAF] =	sst s8  }
0x11: {  	[smem:$0x3FB0] =	sst s9;
	s0 =	simm.s32 @!p0 $0x0  }
0x12: {  	s1 =	sld [smem:$0x3F96];
	s0 =	simm.s32 @p0 $0x1  }
0x13: {  	[smem:$0x3FB1] =	sst s0;
	s0 =	simm.s32 @!p1 $0x0  }
0x14: {  	s2 =	sld [smem:$0x3F95];
	s0 =	simm.s32 @p1 $0x1  }
0x15: {  	[smem:$0x3FB2] =	sst s0;
	s0 =	simm.s32 @!p2 $0x0  }
0x16: {  	s3 =	sld [smem:$0x3FDB];
	s0 =	simm.s32 @p2 $0x1  }
0x17: {  	s4 =	simm.s32 $0x1BF5;
	[smem:$0x3FB4] =	sst s0  }
0x18: {  	s0 =	sld [smem:$0x3F97];
	_ =	swait.ge [sflag:s4], $0x0  }
0x19: {  	s7 =	sld [smem:$0x3F98]  }
0x1a: {  	s8 =	sadd.s32 $0xFFFFE003, lr  }
0x1b: {  	s9 =	sadd.s32 $0xFFFFFEF7, lr;
	s5 =	simm.s32 $0xFFFFFFFF;
	p2 =	slt.u32 s8, $0xFFFFF086  }
0x1c: {  	p1 =	slt.u32 s9, $0xF7A;
	s5 =	simm.s32 @!p2 $0x0  }
0x1d: {  	s5 =	simm.s32 @p1 $0x1;
	p0 =	seq.s32 s7, s2  }
0x1e: {  	s7 =	smul.u32 @!p0 $0xF7A, s2;
	p2 =	seq.s32 @!p0 s5, $0x0  }
0x1f: {  	s9 =	smul.u32 $0xF7A, s1;
	s8 =	simm.s32 @!p0 $0x1BF5;
	p2 =	por !p2, p0  }
0x20: {  	[sflag:s8] =	ssyncset.s32 @!p0 $0xFFFFF086;
	s6 =	sadd.s32 @!p0 s3, s7;
	s7 =	simm.s32 @!p0 $0x108  }
0x21: {  	s3 =	sadd.s32 s3, s9;
	s6 =	sadd.s32 @!p0 $0x88, s6;
	s7 =	simm.s32 @p2 $0x1082  }
0x22: {  	[simem:s7], [sflag:s8] =	dma.local @!p0 [hbm:s6], $0xF7A  }
0x23: {  	s9 =	sor.u32 $0xD0000000, s2;
	s6 =	simm.s32 $0x108;
	_ =	swait.ge @!p0 [sflag:s8], $0x0  }
0x24: {  	s3 =	sadd.s32 $0x88, s3;
	s6 =	simm.s32 @!p1 $0x1082;
	[sflag:s4] =	ssyncset.s32 $0xFFFFF086  }
0x25: {  	[simem:s6], [sflag:s4] =	dma.local [hbm:s3], $0xF7A  }
0x26: {  	[smem:$0x3F98] =	sst s1;
	(tag) =	ssettag s2;
	_ =	strace s9  }
0x27: {  	s1 =	sld [smem:$0x3FA8]  }
0x28: {  	s2 =	sld [smem:$0x3FA9]  }
0x29: {  	s4 =	sld [smem:$0x3FAB]  }
0x2a: {  	p0 =	seq.s32 s5, $0x0;
	s5 =	sld [smem:$0x3FAC]  }
0x2b: {  	s6 =	sld [smem:$0x3FAD]  }
0x2c: {  	s7 =	sld [smem:$0x3FAE]  }
0x2d: {  	s3 =	simm.s32 $0x108;
	s8 =	sld [smem:$0x3FAF]  }
0x2e: {  	s3 =	simm.s32 @!p0 $0x1082;
	s9 =	sld [smem:$0x3FB0]  }
0x2f: {  	lr =	sadd.s32 s0, s3;
	s0 =	sld [smem:$0x3FA7]  }
0x30: {  	s3 =	sld [smem:$0x3FAA]  }
0x31: {  	[smem:$0x3FB3] =	sst s10  }
0x32: {  	s10 =	sld [smem:$0x3FB1];
	_ =	sdelay $0x3  }
0x33: {  	p0 =	seq.s32 s10, $0x1;
	s10 =	sld [smem:$0x3FB3];
	_ =	sdelay $0x3  }
0x34: {  	[smem:$0x3FB3] =	sst s10  }
0x35: {  	s10 =	sld [smem:$0x3FB2];
	_ =	sdelay $0x3  }
0x36: {  	p1 =	seq.s32 s10, $0x1;
	s10 =	sld [smem:$0x3FB3];
	_ =	sdelay $0x3  }
0x37: {  	[smem:$0x3FB3] =	sst s10  }
0x38: {  	s10 =	sld [smem:$0x3FB4]  }
0x39: {  	_ = 	snop;
	(pc) =	sbr.ind lr, $3  }
0x3a: {  	_ = 	snop  }
0x3b: {  	_ = 	snop  }
0x3c: {  	p2 =	seq.s32 s10, $0x1;
	s10 =	sld [smem:$0x3FB3]  }
0x3d: {  	_ =	shalt  }
0x3e: {  	_ =	shalt  }
0x3f: {  	_ =	shalt  }
0x40: {  	_ =	shalt  }
0x41: {  	_ =	shalt  }
0x42: {  	_ =	shalt  }
0x43: {  	_ =	shalt  }
0x44: {  	_ =	shalt  }
0x45: {  	_ =	shalt  }
0x46: {  	_ =	shalt  }
0x47: {  	_ =	shalt  }
0x48: {  	_ =	shalt  }
0x49: {  	_ =	shalt  }
0x4a: {  	_ =	shalt  }
0x4b: {  	_ =	shalt  }
0x4c: {  	_ =	shalt  }
0x4d: {  	_ =	shalt  }
0x4e: {  	_ =	shalt  }
0x4f: {  	_ =	shalt  }
0x50: {  	_ =	shalt  }
0x51: {  	_ =	shalt  }
0x52: {  	_ =	shalt  }
0x53: {  	_ =	shalt  }
0x54: {  	_ =	shalt  }
0x55: {  	_ =	shalt  }
0x56: {  	_ =	shalt  }
0x57: {  	_ =	shalt  }
0x58: {  	_ =	shalt  }
0x59: {  	_ =	shalt  }
0x5a: {  	_ =	shalt  }
0x5b: {  	_ =	shalt  }
0x5c: {  	_ =	shalt  }
0x5d: {  	_ =	shalt  }
0x5e: {  	_ =	shalt  }
0x5f: {  	_ =	shalt  }
0x60: {  	_ =	shalt  }
0x61: {  	_ =	shalt  }
0x62: {  	_ =	shalt  }
0x63: {  	_ =	shalt  }
0x64: {  	_ =	shalt  }
0x65: {  	_ =	shalt  }
0x66: {  	_ =	shalt  }
0x67: {  	_ =	shalt  }
0x68: {  	_ =	shalt  }
0x69: {  	_ =	shalt  }
0x6a: {  	_ =	shalt  }
0x6b: {  	_ =	shalt  }
0x6c: {  	_ =	shalt  }
0x6d: {  	_ =	shalt  }
0x6e: {  	_ =	shalt  }
0x6f: {  	_ =	shalt  }
0x70: {  	_ =	shalt  }
0x71: {  	_ =	shalt  }
0x72: {  	_ =	shalt  }
0x73: {  	_ =	shalt  }
0x74: {  	_ =	shalt  }
0x75: {  	_ =	shalt  }
0x76: {  	_ =	shalt  }
0x77: {  	_ =	shalt  }
0x78: {  	_ =	shalt  }
0x79: {  	_ =	shalt  }
0x7a: {  	_ =	shalt  }
0x7b: {  	_ =	shalt  }
0x7c: {  	_ =	shalt  }
0x7d: {  	_ =	shalt  }
0x7e: {  	_ =	shalt  }
0x7f: {  	_ =	shalt  }
0x80: {  	_ =	shalt  }
0x81: {  	_ =	shalt  }
0x82: {  	_ =	shalt  }
0x83: {  	_ =	shalt  }
0x84: {  	_ =	shalt  }
0x85: {  	_ =	shalt  }
0x86: {  	_ =	shalt  }
0x87: {  	_ =	shalt  }
.Lfunc_end0:
.L_simem_size_0:
called_computation_lowered:
.L_overlay_start_0:
0x88: {  	s2 =	sld [smem:$0x3FD9]  }
0x89: {  	s3 =	sld [smem:$0x3FFE];
	_ =	sdelay $0x1  }
0x8a: {  	s1 =	srdreg.scid  }
0x8b: {  	s0 =	sand.u32 $0x1, s1  }
0x8c: {  	s17 =	sshll.u32 s0, $0xA;
	s2 =	sadd.s32 s3, s2  }
0x8d: {  	s2 =	sadd.s32 s2, s17  }
0x8e: {  	[smem:$0x3FBF] =	sst s2  }
0x8f: {  	_ = 	snop  }
0x90: {  	s2 =	sld [smem:$0x3FD0];
	(tm) =	ssettm $0x1  }
0x91: {  	s18 =	sld [smem:$0x3FFB];
	_ =	sdelay $0x3  }
0x92: {  	_ =	strace s18  }
0x93: {  	s3 =	sld [smem:$0x3FFC];
	_ =	sdelay $0x3  }
0x94: {  	_ =	strace s3  }
0x95: {  	s3 =	sld [smem:$0x3FFD];
	_ =	sdelay $0x3  }
0x96: {  	_ =	strace s3  }
0x97: {  	_ =	strace $0x8FFFFFFF  }
0x98: {  	s19 =	sld [smem:$0x3FDB];
	_ =	sdelay $0x1  }
0x99: {  	s4 =	simm.s32 $_scs_section_size  }
0x9a: {  	s5 =	simm.s32 $_size__tile_overlayer_lowered;
	s6 =	simm.s32 $_tile_overlayer_lowered  }
0x9b: {  	s22 =	simm.s32 $0x1BFF;
	s21 =	sshll.u32 s6, $0x1;
	s3 =	sadd.s32 s4, s19  }
0x9c: {  	s7 =	simm.s32 $0x0;
	s20 =	sshll.u32 s5, $0x1;
	s5 =	sadd.s32 s21, s3  }
0x9d: {  	[timem:s7], [sflag:s22] =	dma.local [hbm:s5], s20  }
0x9e: {  	_ =	swait.ge [sflag:s22], s20  }
0x9f: {  	s4 =	ssub.s32 $0x0, s20;
	[sflag:s22] =	ssyncset.done $0x0  }
0xa0: {  	[sflag:s22] =	ssyncadd.s32 s4;
	_ =	sdelay $0x1  }
0xa1: {  	s23 =	simm.s32 $0x1B8B  }
0xa2: {  	_ =	swait.ge [sflag:s23], $0x1  }
0xa3: {  	[sflag:s23] =	ssyncset.done $0x0  }
0xa4: {  	s25 =	simm.s32 $0x1B8E;
	s24 =	sld [smem:$0x3FFE];
	[sflag:s23] =	ssyncadd.s32 $0xFFFFFFFF  }
0xa5: {  	s26 =	simm.s32 $execute0_lowered;
	[smem:$0x3FD2] =	sst s25  }
0xa6: {  	s5 =	sshll.u32 s26, $0x1;
	_ =	strace $0x80000046;
	[dreg:$0x1] =	wrdreg $0xFFFFFFFF  }
0xa7: {  	s28 =	simm.s32 $_size_execute0_lowered;
	s3 =	sadd.s32 s3, s5;
	[dreg:$0x0] =	wrdreg $0x0  }
0xa8: {  	s5 =	sshll.u32 s28, $0x1;
	[dreg:$0x2] =	wrdreg s3  }
0xa9: {  	[dreg:$0x3] =	wrdreg s5  }
0xaa: {  	[dreg:$0x4] =	wrdreg $0xC0  }
0xab: {  	_ =	task [dreg:s7], $0x5FFFF  }
0xac: {  	[dreg:$0x1] =	wrdreg $0xFFFFFFFF  }
0xad: {  	[dreg:$0x0] =	wrdreg $0x60  }
0xae: {  	[dreg:$0x2] =	wrdreg s24  }
0xaf: {  	[dreg:$0x3] =	wrdreg s2  }
0xb0: {  	[dreg:$0x4] =	wrdreg $0xDD000  }
0xb1: {  	[dreg:$0x5] =	wrdreg $0x9  }
0xb2: {  	_ =	task.clear_ibuf [dreg:s7], $0x6FFFF;
	_ =	strace $0x90000046  }
0xb3: {  	s29 =	simm.s32 $0x9;
	_ =	strace $0x80000048  }
0xb4: {  	_ =	swait.ge [sflag:s29], $0x1  }
0xb5: {  	[sflag:s29] =	ssyncadd.s32 $0xFFFFFFFF  }
0xb6: {  	_ =	strace $0x90000048  }
0xb7: {  	_ =	sfence  }
0xb8: {  	s30 =	sld [smem:$0x0];
	_ =	sdelay $0x2  }
0xb9: {  	s31 =	sshll.u32 s1, $0xD;
	s1 =	sshrl.u32 s1, $0x2  }
0xba: {  	s3 =	sand.u32 $0x4000, s31;
	s1 =	sadd.s32 s1, s30  }
0xbb: {  	s0 =	sor.u32 s3, s0;
	s1 =	sshll.u32 s1, $0x11  }
0xbc: {  	s0 =	sor.u32 s1, s0  }
0xbd: {  	s0 =	sadd.s32 $0x8F2B, s0  }
0xbe: {  	[sflag:s0] =	ssyncadd.remote.s32 $0x1  }
0xbf: {  	_ =	sfence.sel $0xFFFF  }
0xc0: {  	[dreg:$0x0] =	wrdreg $0xFFFFFFFF;
	(pc) =	sbr.abs _section_cstart, $3  }
0xc1: {  	[dreg:$0x1] =	wrdreg $0xFFFFFFFF  }
0xc2: {  	_ =	task.clear_ibuf [dreg:s7], $0x2FFFF;
	_ =	strace $0x9FFFFFFF  }
0xc3: {  	(tm) =	ssettm $0x7FFFFFFF  }
tec
execute0_lowered:
.L_overlay_start_1:
0x0: {  	(tag) =	ssettag $0x1  }
0x1: {  	s5 =	rddreg [dreg:$0x0]  }
0x2: {  	s10 =	rddreg [dreg:$0x1]  }
0x3: {  	s2 =	rddreg [dreg:$0x2]  }
0x4: {  	s0 =	rddreg [dreg:$0x3];
	s1 =	stileid.u32  }
0x5: {  	s4 =	srdreg.scid;
	s3 =	simm.s32 $0x0;
	s16 =	simm.s32 $0x4E80  }
0x6: {  	s17 =	simm.s32 $0x80;
	s18 =	simm.s32 $0xBD00;
	s11 =	smul.u32 $0x9D0, s1  }
0x7: {  	s20 =	simm.s32 $0x2;
	s21 =	simm.s32 $0x9C80;
	s6 =	smul.u32 $0x9E00, s1  }
0x8: {  	s19 =	sand.u32 $0x1, s4;
	[smem:$0x7FF] =	sst s3;
	s8 =	smul.u32 $0x27800, s1  }
0x9: {  	s4 =	sadd.s32 $0xAA00, s5;
	s7 =	smul.u32 $0x9E000, s19;
	_ =	strace $0x80000047  }
0xa: {  	s9 =	ssub.s32 $0x2, s19;
	v0 =	vmov s19;
	s19 =	simm.s32 $0x1;
	s12 =	sadd.s32 s11, s5  }
0xb: {  	s8 =	sshrl.u32 s8, $0x2;
	s31 =	sshrl.u32 s9, $0x1;
	s10 =	sadd.s32 s10, s11  }
0xc: {  	s7 =	sadd.s32 s6, s7;
	s14 =	sadd.s32 s8, s2;
	s15 =	ssub.s32 s9, s31  }
0xd: {  	s11 =	sadd.s32 $0xC00, s12;
	s7 =	sshrl.u32 s7, $0x3;
	s8 =	sadd.s32 $0x6000, s14  }
0xe: {  	s9 =	sadd.s32 $0x8000, s14;
	s13 =	sadd.s32 s7, s5;
	s5 =	sadd.s32 s6, s2  }
0xf: {  	s6 =	sadd.s32 $0x2000, s14;
	s7 =	sadd.s32 $0x4000, s14;
	s14 =	simm.s32 $0x9D00  }
0x10: {  	v1 =	vimm.f32 $0.0e+00;
	s12 =	sadd.s32 $0x1B8600, s13;
	s13 =	smax.u32 s15, $0x1;
	s15 =	simm.s32 $0x3  }
.LBB2_1:
0x11: {  	s23 =	simm.s32 $0x100;
	s22 =	simm.s32 $0x0  }
.LBB2_2:
0x12: {  	p0 =	sne.s32 s23, $0x7F00;
	[tilespmem:s22+$0x9D30] =	vst v1;
	s24 =	smov.u32 s23;
	s23 =	sadd.s32 $0x100, s23  }
.Ltmp0:
0x13: {  	[tilespmem:s22+$0x9D20] =	vst v1;
	(pc) =	sbr.rel @p0 .LBB2_2-.Ltmp0, $3  }
0x14: {  	[tilespmem:s22+$0x9D00] =	vst v1  }
0x15: {  	[tilespmem:s22+$0x9D10] =	vst v1;
	_ =	sdelay $0x1  }
0x16: {  	s22 =	sshra.s32 s24, $0x2  }
0x17: {  	[tilespmem:s22+$0x9D30] =	vst v1  }
0x18: {  	[tilespmem:s22+$0x9D20] =	vst v1  }
0x19: {  	[tilespmem:s22+$0x9D00] =	vst v1  }
0x1a: {  	[tilespmem:s22+$0x9D10] =	vst v1  }
0x1b: {  	[spmem:s5] =	stream.linear.scatter [tilespmem:s14], [sflag:$0x3], $0x2000, $0x38;
	[tilespmem:$0x17B00] =	vst v63  }
0x1c: {  	_ =	swait.ge [sflag:s15], $0x2000  }
0x1d: {  	[sflag:s15] =	ssyncset.done $0x0  }
0x1e: {  	[sflag:s15] =	ssyncadd.s32 $0xFFFFE000  }
0x1f: {  	[spmem:s6] =	stream.linear.scatter [tilespmem:s14], [sflag:$0x3], $0x2000, $0x38;
	[tilespmem:$0x17B00] =	vst v63  }
0x20: {  	_ =	swait.ge [sflag:s15], $0x2000  }
0x21: {  	[sflag:s15] =	ssyncset.done $0x0  }
0x22: {  	[sflag:s15] =	ssyncadd.s32 $0xFFFFE000  }
0x23: {  	[spmem:s7] =	stream.linear.scatter [tilespmem:s14], [sflag:$0x3], $0x2000, $0x38;
	[tilespmem:$0x17B00] =	vst v63  }
0x24: {  	_ =	swait.ge [sflag:s15], $0x2000  }
0x25: {  	[sflag:s15] =	ssyncset.done $0x0  }
0x26: {  	[sflag:s15] =	ssyncadd.s32 $0xFFFFE000  }
0x27: {  	[spmem:s8] =	stream.linear.scatter [tilespmem:s14], [sflag:$0x3], $0x2000, $0x38;
	[tilespmem:$0x17B00] =	vst v63  }
0x28: {  	_ =	swait.ge [sflag:s15], $0x2000  }
0x29: {  	[sflag:s15] =	ssyncset.done $0x0  }
0x2a: {  	[sflag:s15] =	ssyncadd.s32 $0xFFFFE000  }
0x2b: {  	[spmem:s9] =	stream.linear.scatter [tilespmem:s14], [sflag:$0x3], $0x1E00, $0x38;
	[tilespmem:$0x17B00] =	vst v63  }
0x2c: {  	_ =	swait.ge [sflag:s15], $0x1E00  }
0x2d: {  	[sflag:s15] =	ssyncset.done $0x0  }
0x2e: {  	s31 =	simm.s32 $0x0;
	[sflag:s15] =	ssyncadd.s32 $0xFFFFE200  }
0x2f: {  	[tilespmem:s31], [sflag:$0x3] =	stream.linear.gather [hbm4b:s10+s31], $0x4E80, $0x38;
	[tilespmem:$0x17B00] =	vst v63  }
0x30: {  	_ =	swait.ge [sflag:s15], $0x4E80  }
0x31: {  	[sflag:s15] =	ssyncset.done $0x0  }
0x32: {  	[sflag:s15] =	ssyncadd.s32 $0xFFFFB180  }
0x33: {  	[tilespmem:s16], [sflag:$0x3] =	stream.linear.gather [hbm4b:s11+s31], $0x4E80, $0x38;
	[tilespmem:$0x17B00] =	vst v63  }
0x34: {  	_ =	swait.ge [sflag:s15], $0x4E80  }
0x35: {  	[sflag:s15] =	ssyncset.done $0x0  }
0x36: {  	[sflag:s15] =	ssyncadd.s32 $0xFFFFB180  }
0x37: {  	s22 =	simm.s32 $0x0;
	[bflag:$0x0] =	sbarrier.arrive $0xFFFF  }
0x38: {  	v3 =	vld [tilespmem:s22+$0x0]  }
0x39: {  	v4 =	vld [tilespmem:s22+$0x10]  }
0x3a: {  	v6 =	vld [tilespmem:s22+$0x20]  }
0x3b: {  	v5 =	vld [tilespmem:s22+$0x30]  }
0x3c: {  	v2 =	vld [tilespmem:s22+$0x40]  }
0x3d: {  	v7 =	vshll.u32 v3, $0x1;
	v3 =	vld [tilespmem:s22+$0x50]  }
0x3e: {  	s23 =	simm.s32 $0x200;
	v8 =	vshll.u32 v4, $0x1;
	v4 =	vld [tilespmem:s22+$0x60];
	v7 =	vor.u32 v0, v7  }
.LBB2_4:
0x3f: {  	s24 =	sshra.s32 s23, $0x2;
	p0 =	sne.s32 s23, $0x13800;
	[tilespmem:s22+$0x0] =	vst v7;
	v7 =	vor.u32 v0, v8;
	v6 =	vshll.u32 v6, $0x1;
	v8 =	vld [tilespmem:s22+$0x70]  }
0x40: {  	v9 =	vld [tilespmem:s24+$0x0];
	[tilespmem:s22+$0x10] =	vst v7;
	v6 =	vor.u32 v0, v6;
	v5 =	vshll.u32 v5, $0x1  }
0x41: {  	v10 =	vld [tilespmem:s24+$0x10];
	[tilespmem:s22+$0x20] =	vst v6;
	v5 =	vor.u32 v0, v5;
	v2 =	vshll.u32 v2, $0x1  }
.Ltmp1:
0x42: {  	v6 =	vld [tilespmem:s24+$0x20];
	[tilespmem:s22+$0x30] =	vst v5;
	v2 =	vor.u32 v0, v2;
	v3 =	vshll.u32 v3, $0x1;
	(pc) =	sbr.rel @p0 .LBB2_4-.Ltmp1, $4  }
0x43: {  	v5 =	vld [tilespmem:s24+$0x30];
	[tilespmem:s22+$0x40] =	vst v2;
	v3 =	vor.u32 v0, v3;
	v4 =	vshll.u32 v4, $0x1  }
0x44: {  	v2 =	vld [tilespmem:s24+$0x40];
	[tilespmem:s22+$0x50] =	vst v3;
	v4 =	vor.u32 v0, v4;
	v7 =	vshll.u32 v8, $0x1  }
0x45: {  	v8 =	vshll.u32 v9, $0x1;
	v3 =	vld [tilespmem:s24+$0x50];
	[tilespmem:s22+$0x60] =	vst v4;
	v9 =	vor.u32 v0, v7  }
0x46: {  	s23 =	sadd.s32 $0x200, s23;
	v7 =	vor.u32 v0, v8;
	v8 =	vshll.u32 v10, $0x1;
	v4 =	vld [tilespmem:s24+$0x60];
	[tilespmem:s22+$0x70] =	vst v9;
	s22 =	smov.u32 s24  }
0x47: {  	[tilespmem:s22+$0x0] =	vst v7;
	v62 =	vor.u32 v0, v8;
	v6 =	vshll.u32 v6, $0x1;
	v63 =	vld [tilespmem:s22+$0x70]  }
0x48: {  	[tilespmem:s22+$0x10] =	vst v62;
	v6 =	vor.u32 v0, v6;
	v5 =	vshll.u32 v5, $0x1  }
0x49: {  	[tilespmem:s22+$0x20] =	vst v6;
	v5 =	vor.u32 v0, v5;
	v2 =	vshll.u32 v2, $0x1  }
0x4a: {  	[tilespmem:s22+$0x30] =	vst v5;
	v2 =	vor.u32 v0, v2;
	v3 =	vshll.u32 v3, $0x1  }
0x4b: {  	[tilespmem:s22+$0x40] =	vst v2;
	v2 =	vor.u32 v0, v3;
	v3 =	vshll.u32 v4, $0x1  }
0x4c: {  	[tilespmem:s22+$0x50] =	vst v2;
	v2 =	vor.u32 v0, v3;
	v3 =	vshll.u32 v63, $0x1  }
0x4d: {  	[tilespmem:s22+$0x60] =	vst v2;
	v2 =	vor.u32 v0, v3  }
0x4e: {  	s26 =	simm.s32 $0x0;
	[tilespmem:s22+$0x70] =	vst v2  }
0x4f: {  	[tilespmem:s14], [sflag:$0x1] =	stream.indirect.gather [hbm4b:s4+s17], $0x40, s26, s17, $0xb8;
	[tilespmem:$0x17B00] =	vst v63  }
0x50: {  	s28 =	simm.s32 $0x80  }
0x51: {  	[tilespmem:s18], [sflag:$0x2] =	stream.indirect.gather [hbm4b:s4+s17], $0x40, s28, s17, $0xb8;
	[tilespmem:$0x17B00] =	vst v63  }
0x52: {  	_ =	swait.ge [sflag:s19], $0x2000  }
0x53: {  	[sflag:s19] =	ssyncset.done $0x0  }
0x54: {  	s29 =	simm.s32 $0x4E80;
	[sflag:s19] =	ssyncadd.s32 $0xFFFFE000  }
0x55: {  	[spmem:s2] =	stream.indirect.scatter.add.f32 [tilespmem:s14], [sflag:$0x3], $0x40, s29, s17, $0xb8;
	[tilespmem:$0x17B00] =	vst v63  }
0x56: {  	_ =	swait.ge [sflag:s15], $0x2000  }
0x57: {  	[sflag:s15] =	ssyncset.done $0x0  }
0x58: {  	s30 =	simm.s32 $0x100;
	[sflag:s15] =	ssyncadd.s32 $0xFFFFE000  }
0x59: {  	[tilespmem:s14], [sflag:$0x1] =	stream.indirect.gather [hbm4b:s4+s17], $0x40, s30, s17, $0xb8;
	[tilespmem:$0x17B00] =	vst v63  }
0x5a: {  	_ =	swait.ge [sflag:s20], $0x2000  }
0x5b: {  	[sflag:s20] =	ssyncset.done $0x0  }
0x5c: {  	s31 =	simm.s32 $0x4F00;
	[sflag:s20] =	ssyncadd.s32 $0xFFFFE000  }
0x5d: {  	[spmem:s2] =	stream.indirect.scatter.add.f32 [tilespmem:s18], [sflag:$0x3], $0x40, s31, s17, $0xb8;
	[tilespmem:$0x17B00] =	vst v63  }
0x5e: {  	_ =	swait.ge [sflag:s15], $0x2000  }
0x5f: {  	s23 =	simm.s32 $0x800;
	s22 =	simm.s32 $0x100;
	[sflag:s15] =	ssyncset.done $0x0  }
.LBB2_6:
0x60: {  	s24 =	sadd.s32 $0x80, s22  }
0x61: {  	[sflag:s15] =	ssyncadd.s32 $0xFFFFE000;
	s25 =	smov.u32 s23;
	s26 =	sadd.s32 $0x400, s23  }
0x62: {  	[tilespmem:s18], [sflag:$0x2] =	stream.indirect.gather [hbm4b:s4+s17], $0x40, s24, s17, $0xb8;
	[tilespmem:$0x17B00] =	vst v63  }
0x63: {  	p0 =	sne.s32 s23, $0x13400;
	_ =	swait.ge [sflag:s19], $0x2000  }
0x64: {  	[sflag:s19] =	ssyncset.done $0x0  }
0x65: {  	s23 =	sadd.s32 $0x4E80, s22;
	[sflag:s19] =	ssyncadd.s32 $0xFFFFE000  }
0x66: {  	[spmem:s2] =	stream.indirect.scatter.add.f32 [tilespmem:s14], [sflag:$0x3], $0x40, s23, s17, $0xb8;
	[tilespmem:$0x17B00] =	vst v63  }
0x67: {  	_ =	swait.ge [sflag:s15], $0x2000  }
0x68: {  	[sflag:s15] =	ssyncset.done $0x0  }
0x69: {  	s23 =	sadd.s32 $0x100, s22;
	[sflag:s15] =	ssyncadd.s32 $0xFFFFE000  }
0x6a: {  	[tilespmem:s14], [sflag:$0x1] =	stream.indirect.gather [hbm4b:s4+s17], $0x40, s23, s17, $0xb8;
	[tilespmem:$0x17B00] =	vst v63  }
0x6b: {  	_ =	swait.ge [sflag:s20], $0x2000  }
.Ltmp2:
0x6c: {  	[sflag:s20] =	ssyncset.done $0x0;
	(pc) =	sbr.rel @p0 .LBB2_6-.Ltmp2, $4  }
0x6d: {  	s22 =	sadd.s32 $0x4F00, s22;
	[sflag:s20] =	ssyncadd.s32 $0xFFFFE000  }
0x6e: {  	[spmem:s2] =	stream.indirect.scatter.add.f32 [tilespmem:s18], [sflag:$0x3], $0x40, s22, s17, $0xb8;
	[tilespmem:$0x17B00] =	vst v63  }
0x6f: {  	_ =	swait.ge [sflag:s15], $0x2000  }
0x70: {  	s23 =	smov.u32 s26;
	s22 =	sshra.s32 s25, $0x2;
	[sflag:s15] =	ssyncset.done $0x0  }
0x71: {  	s23 =	sadd.s32 $0x80, s22;
	[sflag:s15] =	ssyncadd.s32 $0xFFFFE000  }
0x72: {  	[tilespmem:s18], [sflag:$0x2] =	stream.indirect.gather [hbm4b:s4+s17], $0x40, s23, s17, $0xb8;
	[tilespmem:$0x17B00] =	vst v63  }
0x73: {  	_ =	swait.ge [sflag:s19], $0x2000  }
0x74: {  	[sflag:s19] =	ssyncset.done $0x0  }
0x75: {  	s26 =	sadd.s32 $0x4E80, s22;
	[sflag:s19] =	ssyncadd.s32 $0xFFFFE000  }
0x76: {  	[spmem:s2] =	stream.indirect.scatter.add.f32 [tilespmem:s14], [sflag:$0x3], $0x40, s26, s17, $0xb8;
	[tilespmem:$0x17B00] =	vst v63  }
0x77: {  	_ =	swait.ge [sflag:s15], $0x2000  }
0x78: {  	[sflag:s15] =	ssyncset.done $0x0  }
0x79: {  	s28 =	sadd.s32 $0x100, s22;
	[sflag:s15] =	ssyncadd.s32 $0xFFFFE000  }
0x7a: {  	[tilespmem:s14], [sflag:$0x1] =	stream.indirect.gather [hbm4b:s4+s17], $0x40, s28, s17, $0xb8;
	[tilespmem:$0x17B00] =	vst v63  }
0x7b: {  	_ =	swait.ge [sflag:s20], $0x2000  }
0x7c: {  	[sflag:s20] =	ssyncset.done $0x0  }
0x7d: {  	s29 =	sadd.s32 $0x4F00, s22;
	[sflag:s20] =	ssyncadd.s32 $0xFFFFE000  }
0x7e: {  	[spmem:s2] =	stream.indirect.scatter.add.f32 [tilespmem:s18], [sflag:$0x3], $0x40, s29, s17, $0xb8;
	[tilespmem:$0x17B00] =	vst v63  }
0x7f: {  	_ =	swait.ge [sflag:s15], $0x2000  }
0x80: {  	[sflag:s15] =	ssyncset.done $0x0  }
0x81: {  	[sflag:s15] =	ssyncadd.s32 $0xFFFFE000  }
0x82: {  	_ =	swait.ge [sflag:s19], $0x2000  }
0x83: {  	[sflag:s19] =	ssyncset.done $0x0  }
0x84: {  	[sflag:s19] =	ssyncadd.s32 $0xFFFFE000  }
0x85: {  	[spmem:s2] =	stream.indirect.scatter.add.f32 [tilespmem:s14], [sflag:$0x3], $0x40, s21, s17, $0xb8;
	[tilespmem:$0x17B00] =	vst v63  }
0x86: {  	_ =	swait.ge [sflag:s15], $0x2000  }
0x87: {  	s30 =	sshll.u32 s1, $0x6;
	s3 =	sadd.s32 $0x1, s3;
	[sflag:s15] =	ssyncset.done $0x0  }
0x88: {  	s31 =	sshrl.u32 s5, $0x3;
	p0 =	sne.s32 s3, s13;
	[sflag:s15] =	ssyncadd.s32 $0xFFFFE000  }
.Ltmp3:
0x89: {  	s22 =	sor.u32 $0x1C03, s30;
	[bflag:$0x0] =	sbarrier.arrive $0xFFFF;
	(pc) =	sbr.rel @p0 .LBB2_1-.Ltmp3, $4  }
0x8a: {  	[hbm:s12], [sflag:s22] =	dma.local [spmem:s31], $0x13C0  }
0x8b: {  	_ =	swait.ge [sflag:s15], $0x13C0  }
0x8c: {  	[sflag:s15] =	ssyncset.done $0x0  }
0x8d: {  	[sflag:s15] =	ssyncadd.s32 $0xFFFFEC40  }
0x8e: {  	_ =	sfence.sel $0x180000  }
0x8f: {  	[bflag:$0x0] =	sbarrier.arrive $0xFFFF  }
0x90: {  	p0 =	sne.s32 s1, $0x0;
	_ =	strace $0x90000047  }
0x91: {  	s0 =	sadd.s32 @!p0 $0x100000, s0;
	[bflag:$0x2] =	sbarrier.arrive $0xFFFF  }
0x92: {  	[sflag:s0] =	ssyncadd.tile.s32 @!p0 $0x1;
	_ =	shalt  }
.Lfunc_end2:
_tile_overlayer_lowered:
.L_overlay_start_2:
0x93: {  	(tag) =	ssettag $0x2  }
0x94: {  	s0 =	rddreg [dreg:$0x0];
	s2 =	stileid.u32  }
0x95: {  	s1 =	rddreg [dreg:$0x1];
	p0 =	sne.s32 s2, $0x0  }
0x96: {  	s3 =	rddreg [dreg:$0x2];
	[bflag:$0x3] =	sbarrier.arrive $0xFFFF;
	s2 =	simm.s32 @!p0 $0x1C03  }
0x97: {  	[timem:s3], [sflag:s2] =	dma.local @!p0 [hbm:s0], s1  }
0x98: {  	s0 =	simm.s32 @!p0 $0x3  }
0x99: {  	_ =	swait.ge @!p0 [sflag:s0], s1  }
0x9a: {  	s1 =	ssub.s32 @!p0 $0x0, s1;
	[sflag:s0] =	ssyncset.done @!p0 $0x0  }
0x9b: {  	[sflag:s0] =	ssyncadd.s32 @!p0 s1  }
0x9c: {  	[bflag:$0x3] =	sbarrier.arrive $0xFFFF  }
0x9d: {  	_ =	shalt  }

</sc_bundles>
